<compile_context>
chip_gen: v7x
topology: tpu7x:2x2x1
jax: 0.10.2.dev20260603
libtpu: 0.0.44.dev20260713+nightly
codegen_flags: <defaults>
</compile_context>

<pallas_src>
import functools

import jax
import jax.numpy as jnp
from jax import lax
from jax.experimental import pallas as pl
from jax.experimental.pallas import tpu as pltpu
from jax.experimental.pallas import tpu_sc as plsc

IOU_T = 0.5
SCORE_T = 0.05
MAXDET = 100
NEG = -1e30

L = 16
GROUPS = 2
SLOTS = 8
CH = 2560
NV = CH // L
NP = CH * SLOTS
OD = 128
SHPAD = 64
UNROLL = 4


def _sc_nms_body(sch, x1h, y1h, x2h, y2h, clh,
                 oidxh, osch, ox1h, oy1h, ox2h, oy2h, oclh, onumh,
                 act_v, x1_v, y1_v, x2_v, y2_v, ar_v, cl_v,
                 pubi_v, cand8_v, sem,
                 oidx_b, osc_b, ox1_b, oy1_b, ox2_b, oy2_b, ocl_b, onum_b,
                 sharedi):
    c = lax.axis_index("c")
    s = lax.axis_index("s")
    g = s // SLOTS
    slot = s - g * SLOTS
    b = c * GROUPS + g
    base = slot * CH

    pltpu.sync_copy(sch.at[b, pl.ds(base, CH)], act_v)
    pltpu.sync_copy(x1h.at[b, pl.ds(base, CH)], x1_v)
    pltpu.sync_copy(y1h.at[b, pl.ds(base, CH)], y1_v)
    pltpu.sync_copy(x2h.at[b, pl.ds(base, CH)], x2_v)
    pltpu.sync_copy(y2h.at[b, pl.ds(base, CH)], y2_v)
    pltpu.sync_copy(clh.at[b, pl.ds(base, CH)], cl_v)

    lane = lax.iota(jnp.int32, L)
    NEGv = jnp.full((L,), NEG, jnp.float32)
    ZI = jnp.zeros((L,), jnp.int32)

    def publish(rmax, ridx, parity):
        mx = jnp.max(rmax)
        li = jnp.min(jnp.where(rmax == mx, ridx, jnp.int32(2**30)))
        lo_v = jnp.full((L,), jnp.clip(li - base, 0, CH - 1), jnp.int32)
        wx1v = plsc.load_gather(x1_v, [lo_v])
        wy1v = plsc.load_gather(y1_v, [lo_v])
        wx2v = plsc.load_gather(x2_v, [lo_v])
        wy2v = plsc.load_gather(y2_v, [lo_v])
        wclv = plsc.load_gather(cl_v, [lo_v])
        pubf = jnp.where(lane == 0, mx, jnp.float32(0.0))
        pubf = jnp.where(lane == 2, wx1v, pubf)
        pubf = jnp.where(lane == 3, wy1v, pubf)
        pubf = jnp.where(lane == 4, wx2v, pubf)
        pubf = jnp.where(lane == 5, wy2v, pubf)
        pubi = plsc.bitcast(pubf, jnp.int32)
        pubi = jnp.where(lane == 1, li, pubi)
        pubi = jnp.where(lane == 6, wclv, pubi)
        pubi_v[:] = pubi
        row = SHPAD + parity * (GROUPS * SLOTS) + g * SLOTS + slot
        pltpu.sync_copy(pubi_v, sharedi.at[row])

    def init_body(i, carry):
        rmax, ridx = carry
        off = i * L
        sl = pl.ds(off, L)
        sv = act_v[sl]
        a = jnp.where(sv > SCORE_T, sv, NEGv)
        act_v[sl] = a
        bx1 = x1_v[sl]
        by1 = y1_v[sl]
        bx2 = x2_v[sl]
        by2 = y2_v[sl]
        ar_v[sl] = (bx2 - bx1) * (by2 - by1)
        idxv = (base + off) + lane
        gt = a > rmax
        return jnp.where(gt, a, rmax), jnp.where(gt, idxv, ridx)

    rmax, ridx = lax.fori_loop(0, NV, init_body, (NEGv, ZI))
    publish(rmax, ridx, 0)

    def iter_body(t, num):
        parity = lax.rem(t, 2)
        plsc.subcore_barrier()
        rowbase = SHPAD + parity * (GROUPS * SLOTS) + g * SLOTS
        handles = [pltpu.async_copy(sharedi.at[rowbase + j], cand8_v.at[j], sem)
                   for j in range(SLOTS)]
        for h in handles:
            h.wait()
        irow = cand8_v[0]
        frow = plsc.bitcast(irow, jnp.float32)
        bv = frow[0]
        bi = irow[1]
        wx1 = frow[2]
        wy1 = frow[3]
        wx2 = frow[4]
        wy2 = frow[5]
        wcl = irow[6]
        for j in range(1, SLOTS):
            ij = cand8_v[j]
            fj = plsc.bitcast(ij, jnp.float32)
            v = fj[0]
            ii = ij[1]
            bt = jnp.logical_or(v > bv, jnp.logical_and(v == bv, ii < bi))
            bv = jnp.where(bt, v, bv)
            bi = jnp.where(bt, ii, bi)
            wx1 = jnp.where(bt, fj[2], wx1)
            wy1 = jnp.where(bt, fj[3], wy1)
            wx2 = jnp.where(bt, fj[4], wx2)
            wy2 = jnp.where(bt, fj[5], wy2)
            wcl = jnp.where(bt, ij[6], wcl)
        plsc.subcore_barrier()
        keep = bv > jnp.float32(-0.5e30)

        @pl.when(slot == 0)
        def _():
            tv = jnp.full((L,), t, jnp.int32)
            m0 = lane == 0

            def scat_i(ref, val):
                plsc.store_scatter(ref, [tv], jnp.broadcast_to(val, (L,)),
                                   mask=m0)

            scat_i(oidx_b, jnp.where(keep, bi, -1))
            scat_i(osc_b, jnp.where(keep, bv, jnp.float32(0.0)))
            scat_i(ox1_b, jnp.where(keep, wx1, jnp.float32(0.0)))
            scat_i(oy1_b, jnp.where(keep, wy1, jnp.float32(0.0)))
            scat_i(ox2_b, jnp.where(keep, wx2, jnp.float32(0.0)))
            scat_i(oy2_b, jnp.where(keep, wy2, jnp.float32(0.0)))
            scat_i(ocl_b, jnp.where(keep, wcl, -1))

        @pl.when(t < MAXDET - 1)
        def _():
            war = (wx2 - wx1) * (wy2 - wy1)
            wx1v = jnp.full((L,), wx1)
            wy1v = jnp.full((L,), wy1)
            wx2v = jnp.full((L,), wx2)
            wy2v = jnp.full((L,), wy2)
            warv = jnp.full((L,), war)
            biv = jnp.full((L,), bi)

            def sup_body(i, carry):
                rmax, ridx = carry
                for u in range(UNROLL):
                    off = (i * UNROLL + u) * L
                    sl = pl.ds(off, L)
                    a = act_v[sl]
                    bx1 = x1_v[sl]
                    by1 = y1_v[sl]
                    bx2 = x2_v[sl]
                    by2 = y2_v[sl]
                    ar2 = ar_v[sl]
                    xx1 = jnp.maximum(wx1v, bx1)
                    yy1 = jnp.maximum(wy1v, by1)
                    xx2 = jnp.minimum(wx2v, bx2)
                    yy2 = jnp.minimum(wy2v, by2)
                    iw = jnp.maximum(xx2 - xx1, jnp.float32(0.0))
                    ih = jnp.maximum(yy2 - yy1, jnp.float32(0.0))
                    inter = iw * ih
                    iou = inter / (warv + ar2 - inter + jnp.float32(1e-9))
                    idxv = (base + off) + lane
                    sup = jnp.logical_or(iou > IOU_T, idxv == biv)
                    a2 = jnp.where(sup, NEGv, a)
                    act_v[sl] = a2
                    gt = a2 > rmax
                    rmax = jnp.where(gt, a2, rmax)
                    ridx = jnp.where(gt, idxv, ridx)
                return rmax, ridx

            rmax2, ridx2 = lax.fori_loop(0, NV // UNROLL, sup_body,
                                         (NEGv, ZI))
            publish(rmax2, ridx2, lax.rem(t + 1, 2))

        return num + keep.astype(jnp.int32)

    num = lax.fori_loop(0, MAXDET, iter_body, jnp.int32(0))

    @pl.when(slot == 0)
    def _():
        onum_b[:] = jnp.full((L,), num, jnp.int32)
        pltpu.sync_copy(oidx_b, oidxh.at[b])
        pltpu.sync_copy(osc_b, osch.at[b])
        pltpu.sync_copy(ox1_b, ox1h.at[b])
        pltpu.sync_copy(oy1_b, oy1h.at[b])
        pltpu.sync_copy(ox2_b, ox2h.at[b])
        pltpu.sync_copy(oy2_b, oy2h.at[b])
        pltpu.sync_copy(ocl_b, oclh.at[b])
        pltpu.sync_copy(onum_b, onumh.at[b])


def _make_sc_call(B):
    of = jax.ShapeDtypeStruct((B, OD), jnp.float32)
    oi = jax.ShapeDtypeStruct((B, OD), jnp.int32)
    onum = jax.ShapeDtypeStruct((B, L), jnp.int32)
    mesh = plsc.VectorSubcoreMesh(core_axis_name="c", subcore_axis_name="s")
    return pl.kernel(
        _sc_nms_body,
        out_type=[oi, of, of, of, of, of, oi, onum],
        mesh=mesh,
        compiler_params=pltpu.CompilerParams(needs_layout_passes=False),
        scratch_types=[
            pltpu.VMEM((CH,), jnp.float32),
            pltpu.VMEM((CH,), jnp.float32),
            pltpu.VMEM((CH,), jnp.float32),
            pltpu.VMEM((CH,), jnp.float32),
            pltpu.VMEM((CH,), jnp.float32),
            pltpu.VMEM((CH,), jnp.float32),
            pltpu.VMEM((CH,), jnp.int32),
            pltpu.VMEM((L,), jnp.int32),
            pltpu.VMEM((SLOTS, L), jnp.int32),
            pltpu.SemaphoreType.DMA,
            pltpu.VMEM((OD,), jnp.int32),
            pltpu.VMEM((OD,), jnp.float32),
            pltpu.VMEM((OD,), jnp.float32),
            pltpu.VMEM((OD,), jnp.float32),
            pltpu.VMEM((OD,), jnp.float32),
            pltpu.VMEM((OD,), jnp.float32),
            pltpu.VMEM((OD,), jnp.int32),
            pltpu.VMEM((L,), jnp.int32),
            pltpu.VMEM_SHARED((SHPAD + 2 * GROUPS * SLOTS, L), jnp.int32),
        ],
    )


@jax.jit
def kernel(scores, boxes, classes):
    B, N = scores.shape
    pad = NP - N
    scp = jnp.pad(scores, ((0, 0), (0, pad)), constant_values=-1.0)
    clp = jnp.pad(classes, ((0, 0), (0, pad)))
    bx = jnp.pad(boxes, ((0, 0), (0, pad), (0, 0)))
    x1 = bx[:, :, 0]
    y1 = bx[:, :, 1]
    x2 = bx[:, :, 2]
    y2 = bx[:, :, 3]

    outs = _make_sc_call(B)(scp, x1, y1, x2, y2, clp)
    oidx, osc, ox1, oy1, ox2, oy2, ocl, onum = outs
    idxs = oidx[:, :MAXDET]
    scs = osc[:, :MAXDET]
    bxs = jnp.stack([ox1[:, :MAXDET], oy1[:, :MAXDET],
                     ox2[:, :MAXDET], oy2[:, :MAXDET]], axis=-1)
    cls_out = ocl[:, :MAXDET]
    num = onum[:, 0]
    return idxs, scs, bxs, cls_out, num

# --- scband reference (transcript-rebuilt; emitter-appended) ---
"""Pipeline reference for scband-nms-38654705664161 (READ-ONLY COPY).

The authoritative reference and input builder live on the scoring server;
editing this copy changes nothing except your own understanding.
"""

import jax, jax.numpy as jnp
import numpy as np

IOU_THRESHOLD = 0.5
SCORE_THRESHOLD = 0.05
MAX_DETECTIONS = 100
NEG_INF = jnp.float32(-1e30)


def _iou_one_to_many(box, boxes):
    # box: [4] xyxy, boxes: [N,4] xyxy
    x1 = jnp.maximum(box[0], boxes[:, 0])
    y1 = jnp.maximum(box[1], boxes[:, 1])
    x2 = jnp.minimum(box[2], boxes[:, 2])
    y2 = jnp.minimum(box[3], boxes[:, 3])
    inter = jnp.clip(x2 - x1, 0.0) * jnp.clip(y2 - y1, 0.0)
    area1 = (box[2] - box[0]) * (box[3] - box[1])
    area2 = (boxes[:, 2] - boxes[:, 0]) * (boxes[:, 3] - boxes[:, 1])
    return inter / (area1 + area2 - inter + 1e-9)


def _nms_single(scores, boxes, classes):
    # scores: [N], boxes: [N,4], classes: [N]
    active = jnp.where(scores > SCORE_THRESHOLD, scores, NEG_INF)

    def body(act, _):
        idx = jnp.argmax(act)
        best = act[idx]
        keep = best > (NEG_INF * 0.5)
        box = boxes[idx]
        ious = _iou_one_to_many(box, boxes)
        suppress = ious > IOU_THRESHOLD
        act_new = jnp.where(suppress, NEG_INF, act)
        act_new = act_new.at[idx].set(NEG_INF)
        out_idx = jnp.where(keep, idx, -1).astype(jnp.int32)
        out_score = jnp.where(keep, scores[idx], 0.0)
        out_box = jnp.where(keep, box, jnp.zeros_like(box))
        out_cls = jnp.where(keep, classes[idx], -1).astype(jnp.int32)
        return act_new, (out_idx, out_score, out_box, out_cls, keep)

    _, (idxs, scs, bxs, cls, keeps) = jax.lax.scan(body, active, None, length=MAX_DETECTIONS)
    num = jnp.sum(keeps.astype(jnp.int32))
    return idxs, scs, bxs, cls, num


def setup_inputs(seed: int = 0):
    key = jax.random.key(seed)
    k1, k2, k3, k4 = jax.random.split(key, 4)
    B, N = 4, 20000
    scores = jax.random.uniform(k1, (B, N), dtype=jnp.float32)
    xy = jax.random.uniform(k2, (B, N, 2), dtype=jnp.float32) * 512.0
    wh = jax.random.uniform(k3, (B, N, 2), dtype=jnp.float32) * 64.0 + 1.0
    boxes = jnp.concatenate([xy, xy + wh], axis=-1)
    classes = jax.random.randint(k4, (B, N), 0, 80, dtype=jnp.int32)
    return {"scores": scores, "boxes": boxes, "classes": classes}


def reference(scores, boxes, classes):
    # Batched greedy NMS matching the custom op's output layout:
    # (indices [B,D], scores [B,D], boxes [B,D,4], classes [B,D], num_detections [B])
    return jax.vmap(_nms_single)(scores, boxes, classes)

if __name__ == "__main__":
    import jax
    _d = setup_inputs()
    print(jax.jit(kernel)(*tuple(_d.values())))

</pallas_src>

<mosaic_0001>
#map = affine_map<(d0, d1) -> (0, 0)>
module attributes {stable_mosaic.version = 14 : i64} {
  func.func @_sc_nms_body(%arg0: i32, %arg1: i32, %arg2: memref<4x20480xf32, #tpu.memory_space<hbm>>, %arg3: memref<4x20480xf32, #tpu.memory_space<hbm>>, %arg4: memref<4x20480xf32, #tpu.memory_space<hbm>>, %arg5: memref<4x20480xf32, #tpu.memory_space<hbm>>, %arg6: memref<4x20480xf32, #tpu.memory_space<hbm>>, %arg7: memref<4x20480xi32, #tpu.memory_space<hbm>>, %arg8: memref<4x128xi32, #tpu.memory_space<hbm>>, %arg9: memref<4x128xf32, #tpu.memory_space<hbm>>, %arg10: memref<4x128xf32, #tpu.memory_space<hbm>>, %arg11: memref<4x128xf32, #tpu.memory_space<hbm>>, %arg12: memref<4x128xf32, #tpu.memory_space<hbm>>, %arg13: memref<4x128xf32, #tpu.memory_space<hbm>>, %arg14: memref<4x128xi32, #tpu.memory_space<hbm>>, %arg15: memref<4x16xi32, #tpu.memory_space<hbm>>, %arg16: memref<2560xf32, #tpu.memory_space<vmem>>, %arg17: memref<2560xf32, #tpu.memory_space<vmem>>, %arg18: memref<2560xf32, #tpu.memory_space<vmem>>, %arg19: memref<2560xf32, #tpu.memory_space<vmem>>, %arg20: memref<2560xf32, #tpu.memory_space<vmem>>, %arg21: memref<2560xf32, #tpu.memory_space<vmem>>, %arg22: memref<2560xi32, #tpu.memory_space<vmem>>, %arg23: memref<16xi32, #tpu.memory_space<vmem>>, %arg24: memref<8x16xi32, #tpu.memory_space<vmem>>, %arg25: memref<!tpu.dma_semaphore, #tpu.memory_space<semaphore_mem>>, %arg26: memref<128xi32, #tpu.memory_space<vmem>>, %arg27: memref<128xf32, #tpu.memory_space<vmem>>, %arg28: memref<128xf32, #tpu.memory_space<vmem>>, %arg29: memref<128xf32, #tpu.memory_space<vmem>>, %arg30: memref<128xf32, #tpu.memory_space<vmem>>, %arg31: memref<128xf32, #tpu.memory_space<vmem>>, %arg32: memref<128xi32, #tpu.memory_space<vmem>>, %arg33: memref<16xi32, #tpu.memory_space<vmem>>, %arg34: memref<96x16xi32, #tpu.memory_space<vmem_shared>>) attributes {dimension_semantics = [#tpu.dimension_semantics<core_parallel>, #tpu.dimension_semantics<subcore_parallel>], iteration_bounds = array<i64: 2, 16>, scalar_prefetch = 0 : i64, scratch_operands = 19 : i64, tpu.core_type = #tpu.core_type<sc_vector_subcore>, window_params = [{transform_indices = #map}, {transform_indices = #map}, {transform_indices = #map}, {transform_indices = #map}, {transform_indices = #map}, {transform_indices = #map}, {transform_indices = #map}, {transform_indices = #map}, {transform_indices = #map}, {transform_indices = #map}, {transform_indices = #map}, {transform_indices = #map}, {transform_indices = #map}, {transform_indices = #map}]} {
    %jit3A = arith.constant 8 : i32
    %div3A = arith.divsi %arg1, %jit3A : i32
    %sign3A = arith.constant 0 : i32
    %sign3A_0 = arith.cmpi sgt, %arg1, %sign3A : i32
    %sign3A_1 = arith.extui %sign3A_0 : i1 to i32
    %sign3A_2 = arith.constant 0 : i32
    %sign3A_3 = arith.cmpi slt, %arg1, %sign3A_2 : i32
    %sign3A_4 = arith.extui %sign3A_3 : i1 to i32
    %sign3A_5 = arith.subi %sign3A_1, %sign3A_4 : i32
    %sign3A_6 = arith.constant 0 : i32
    %sign3A_7 = arith.cmpi sgt, %jit3A, %sign3A_6 : i32
    %sign3A_8 = arith.extui %sign3A_7 : i1 to i32
    %sign3A_9 = arith.constant 0 : i32
    %sign3A_10 = arith.cmpi slt, %jit3A, %sign3A_9 : i32
    %sign3A_11 = arith.extui %sign3A_10 : i1 to i32
    %sign3A_12 = arith.subi %sign3A_8, %sign3A_11 : i32
    %ne3A = arith.cmpi ne, %sign3A_5, %sign3A_12 : i32
    %rem3A = arith.remsi %arg1, %jit3A : i32
    %ne3A_13 = arith.constant 0 : i32
    %ne3A_14 = arith.cmpi ne, %rem3A, %ne3A_13 : i32
    %and3A = arith.andi %ne3A, %ne3A_14 : i1
    %sub3A = arith.constant 1 : i32
    %sub3A_15 = arith.subi %div3A, %sub3A : i32
    %select_n3A = arith.select %and3A, %sub3A_15, %div3A : i32
    %mul3A = arith.constant 8 : i32
    %mul3A_16 = arith.muli %select_n3A, %mul3A : i32
    %sub3A_17 = arith.subi %arg1, %mul3A_16 : i32
    %mul3A_18 = arith.constant 2 : i32
    %mul3A_19 = arith.muli %arg0, %mul3A_18 : i32
    %add3A = arith.addi %mul3A_19, %select_n3A : i32
    %mul3A_20 = arith.constant 2560 : i32
    %mul3A_21 = arith.muli %sub3A_17, %mul3A_20 : i32
    "tpu.region"() ({
      %run_scoped3A = tpu.sem_alloc : memref<!tpu.dma_semaphore, #tpu.memory_space<semaphore_mem>>
      %dma_start3A = tpu.memref_slice %arg2[%add3A, %mul3A_21] : memref<4x20480xf32, #tpu.memory_space<hbm>> -> memref<1x2560xf32, #tpu.memory_space<hbm>>
      %dma_start3A_100 = tpu.memref_squeeze %dma_start3A : memref<1x2560xf32, #tpu.memory_space<hbm>> -> memref<2560xf32, #tpu.memory_space<hbm>>
      %dma_start3A_101 = tpu.memref_slice %arg2[%add3A, %mul3A_21] : memref<4x20480xf32, #tpu.memory_space<hbm>> -> memref<1x2560xf32, #tpu.memory_space<hbm>>
      %dma_start3A_102 = tpu.memref_squeeze %dma_start3A_101 : memref<1x2560xf32, #tpu.memory_space<hbm>> -> memref<2560xf32, #tpu.memory_space<hbm>>
      tpu.enqueue_dma source(%dma_start3A_102 : memref<2560xf32, #tpu.memory_space<hbm>>) target(%arg16 : memref<2560xf32, #tpu.memory_space<vmem>>) target_semaphore(%run_scoped3A : memref<!tpu.dma_semaphore, #tpu.memory_space<semaphore_mem>>)
      %dma_wait3A = tpu.memref_slice %arg2[%add3A, %mul3A_21] : memref<4x20480xf32, #tpu.memory_space<hbm>> -> memref<1x2560xf32, #tpu.memory_space<hbm>>
      %dma_wait3A_103 = tpu.memref_squeeze %dma_wait3A : memref<1x2560xf32, #tpu.memory_space<hbm>> -> memref<2560xf32, #tpu.memory_space<hbm>>
      %dma_wait3A_104 = tpu.memref_slice %arg2[%add3A, %mul3A_21] : memref<4x20480xf32, #tpu.memory_space<hbm>> -> memref<1x2560xf32, #tpu.memory_space<hbm>>
      %dma_wait3A_105 = tpu.memref_squeeze %dma_wait3A_104 : memref<1x2560xf32, #tpu.memory_space<hbm>> -> memref<2560xf32, #tpu.memory_space<hbm>>
      tpu.wait_dma2 semaphore(%run_scoped3A : memref<!tpu.dma_semaphore, #tpu.memory_space<semaphore_mem>>) src(%dma_wait3A_105 : memref<2560xf32, #tpu.memory_space<hbm>>) dst(%arg16 : memref<2560xf32, #tpu.memory_space<vmem>>)
      tpu.yield
    }) : () -> ()
    "tpu.region"() ({
      %run_scoped3A = tpu.sem_alloc : memref<!tpu.dma_semaphore, #tpu.memory_space<semaphore_mem>>
      %dma_start3A = tpu.memref_slice %arg3[%add3A, %mul3A_21] : memref<4x20480xf32, #tpu.memory_space<hbm>> -> memref<1x2560xf32, #tpu.memory_space<hbm>>
      %dma_start3A_100 = tpu.memref_squeeze %dma_start3A : memref<1x2560xf32, #tpu.memory_space<hbm>> -> memref<2560xf32, #tpu.memory_space<hbm>>
      %dma_start3A_101 = tpu.memref_slice %arg3[%add3A, %mul3A_21] : memref<4x20480xf32, #tpu.memory_space<hbm>> -> memref<1x2560xf32, #tpu.memory_space<hbm>>
      %dma_start3A_102 = tpu.memref_squeeze %dma_start3A_101 : memref<1x2560xf32, #tpu.memory_space<hbm>> -> memref<2560xf32, #tpu.memory_space<hbm>>
      tpu.enqueue_dma source(%dma_start3A_102 : memref<2560xf32, #tpu.memory_space<hbm>>) target(%arg17 : memref<2560xf32, #tpu.memory_space<vmem>>) target_semaphore(%run_scoped3A : memref<!tpu.dma_semaphore, #tpu.memory_space<semaphore_mem>>)
      %dma_wait3A = tpu.memref_slice %arg3[%add3A, %mul3A_21] : memref<4x20480xf32, #tpu.memory_space<hbm>> -> memref<1x2560xf32, #tpu.memory_space<hbm>>
      %dma_wait3A_103 = tpu.memref_squeeze %dma_wait3A : memref<1x2560xf32, #tpu.memory_space<hbm>> -> memref<2560xf32, #tpu.memory_space<hbm>>
      %dma_wait3A_104 = tpu.memref_slice %arg3[%add3A, %mul3A_21] : memref<4x20480xf32, #tpu.memory_space<hbm>> -> memref<1x2560xf32, #tpu.memory_space<hbm>>
      %dma_wait3A_105 = tpu.memref_squeeze %dma_wait3A_104 : memref<1x2560xf32, #tpu.memory_space<hbm>> -> memref<2560xf32, #tpu.memory_space<hbm>>
      tpu.wait_dma2 semaphore(%run_scoped3A : memref<!tpu.dma_semaphore, #tpu.memory_space<semaphore_mem>>) src(%dma_wait3A_105 : memref<2560xf32, #tpu.memory_space<hbm>>) dst(%arg17 : memref<2560xf32, #tpu.memory_space<vmem>>)
      tpu.yield
    }) : () -> ()
    "tpu.region"() ({
      %run_scoped3A = tpu.sem_alloc : memref<!tpu.dma_semaphore, #tpu.memory_space<semaphore_mem>>
      %dma_start3A = tpu.memref_slice %arg4[%add3A, %mul3A_21] : memref<4x20480xf32, #tpu.memory_space<hbm>> -> memref<1x2560xf32, #tpu.memory_space<hbm>>
      %dma_start3A_100 = tpu.memref_squeeze %dma_start3A : memref<1x2560xf32, #tpu.memory_space<hbm>> -> memref<2560xf32, #tpu.memory_space<hbm>>
      %dma_start3A_101 = tpu.memref_slice %arg4[%add3A, %mul3A_21] : memref<4x20480xf32, #tpu.memory_space<hbm>> -> memref<1x2560xf32, #tpu.memory_space<hbm>>
      %dma_start3A_102 = tpu.memref_squeeze %dma_start3A_101 : memref<1x2560xf32, #tpu.memory_space<hbm>> -> memref<2560xf32, #tpu.memory_space<hbm>>
      tpu.enqueue_dma source(%dma_start3A_102 : memref<2560xf32, #tpu.memory_space<hbm>>) target(%arg18 : memref<2560xf32, #tpu.memory_space<vmem>>) target_semaphore(%run_scoped3A : memref<!tpu.dma_semaphore, #tpu.memory_space<semaphore_mem>>)
      %dma_wait3A = tpu.memref_slice %arg4[%add3A, %mul3A_21] : memref<4x20480xf32, #tpu.memory_space<hbm>> -> memref<1x2560xf32, #tpu.memory_space<hbm>>
      %dma_wait3A_103 = tpu.memref_squeeze %dma_wait3A : memref<1x2560xf32, #tpu.memory_space<hbm>> -> memref<2560xf32, #tpu.memory_space<hbm>>
      %dma_wait3A_104 = tpu.memref_slice %arg4[%add3A, %mul3A_21] : memref<4x20480xf32, #tpu.memory_space<hbm>> -> memref<1x2560xf32, #tpu.memory_space<hbm>>
      %dma_wait3A_105 = tpu.memref_squeeze %dma_wait3A_104 : memref<1x2560xf32, #tpu.memory_space<hbm>> -> memref<2560xf32, #tpu.memory_space<hbm>>
      tpu.wait_dma2 semaphore(%run_scoped3A : memref<!tpu.dma_semaphore, #tpu.memory_space<semaphore_mem>>) src(%dma_wait3A_105 : memref<2560xf32, #tpu.memory_space<hbm>>) dst(%arg18 : memref<2560xf32, #tpu.memory_space<vmem>>)
      tpu.yield
    }) : () -> ()
    "tpu.region"() ({
      %run_scoped3A = tpu.sem_alloc : memref<!tpu.dma_semaphore, #tpu.memory_space<semaphore_mem>>
      %dma_start3A = tpu.memref_slice %arg5[%add3A, %mul3A_21] : memref<4x20480xf32, #tpu.memory_space<hbm>> -> memref<1x2560xf32, #tpu.memory_space<hbm>>
      %dma_start3A_100 = tpu.memref_squeeze %dma_start3A : memref<1x2560xf32, #tpu.memory_space<hbm>> -> memref<2560xf32, #tpu.memory_space<hbm>>
      %dma_start3A_101 = tpu.memref_slice %arg5[%add3A, %mul3A_21] : memref<4x20480xf32, #tpu.memory_space<hbm>> -> memref<1x2560xf32, #tpu.memory_space<hbm>>
      %dma_start3A_102 = tpu.memref_squeeze %dma_start3A_101 : memref<1x2560xf32, #tpu.memory_space<hbm>> -> memref<2560xf32, #tpu.memory_space<hbm>>
      tpu.enqueue_dma source(%dma_start3A_102 : memref<2560xf32, #tpu.memory_space<hbm>>) target(%arg19 : memref<2560xf32, #tpu.memory_space<vmem>>) target_semaphore(%run_scoped3A : memref<!tpu.dma_semaphore, #tpu.memory_space<semaphore_mem>>)
      %dma_wait3A = tpu.memref_slice %arg5[%add3A, %mul3A_21] : memref<4x20480xf32, #tpu.memory_space<hbm>> -> memref<1x2560xf32, #tpu.memory_space<hbm>>
      %dma_wait3A_103 = tpu.memref_squeeze %dma_wait3A : memref<1x2560xf32, #tpu.memory_space<hbm>> -> memref<2560xf32, #tpu.memory_space<hbm>>
      %dma_wait3A_104 = tpu.memref_slice %arg5[%add3A, %mul3A_21] : memref<4x20480xf32, #tpu.memory_space<hbm>> -> memref<1x2560xf32, #tpu.memory_space<hbm>>
      %dma_wait3A_105 = tpu.memref_squeeze %dma_wait3A_104 : memref<1x2560xf32, #tpu.memory_space<hbm>> -> memref<2560xf32, #tpu.memory_space<hbm>>
      tpu.wait_dma2 semaphore(%run_scoped3A : memref<!tpu.dma_semaphore, #tpu.memory_space<semaphore_mem>>) src(%dma_wait3A_105 : memref<2560xf32, #tpu.memory_space<hbm>>) dst(%arg19 : memref<2560xf32, #tpu.memory_space<vmem>>)
      tpu.yield
    }) : () -> ()
    "tpu.region"() ({
      %run_scoped3A = tpu.sem_alloc : memref<!tpu.dma_semaphore, #tpu.memory_space<semaphore_mem>>
      %dma_start3A = tpu.memref_slice %arg6[%add3A, %mul3A_21] : memref<4x20480xf32, #tpu.memory_space<hbm>> -> memref<1x2560xf32, #tpu.memory_space<hbm>>
      %dma_start3A_100 = tpu.memref_squeeze %dma_start3A : memref<1x2560xf32, #tpu.memory_space<hbm>> -> memref<2560xf32, #tpu.memory_space<hbm>>
      %dma_start3A_101 = tpu.memref_slice %arg6[%add3A, %mul3A_21] : memref<4x20480xf32, #tpu.memory_space<hbm>> -> memref<1x2560xf32, #tpu.memory_space<hbm>>
      %dma_start3A_102 = tpu.memref_squeeze %dma_start3A_101 : memref<1x2560xf32, #tpu.memory_space<hbm>> -> memref<2560xf32, #tpu.memory_space<hbm>>
      tpu.enqueue_dma source(%dma_start3A_102 : memref<2560xf32, #tpu.memory_space<hbm>>) target(%arg20 : memref<2560xf32, #tpu.memory_space<vmem>>) target_semaphore(%run_scoped3A : memref<!tpu.dma_semaphore, #tpu.memory_space<semaphore_mem>>)
      %dma_wait3A = tpu.memref_slice %arg6[%add3A, %mul3A_21] : memref<4x20480xf32, #tpu.memory_space<hbm>> -> memref<1x2560xf32, #tpu.memory_space<hbm>>
      %dma_wait3A_103 = tpu.memref_squeeze %dma_wait3A : memref<1x2560xf32, #tpu.memory_space<hbm>> -> memref<2560xf32, #tpu.memory_space<hbm>>
      %dma_wait3A_104 = tpu.memref_slice %arg6[%add3A, %mul3A_21] : memref<4x20480xf32, #tpu.memory_space<hbm>> -> memref<1x2560xf32, #tpu.memory_space<hbm>>
      %dma_wait3A_105 = tpu.memref_squeeze %dma_wait3A_104 : memref<1x2560xf32, #tpu.memory_space<hbm>> -> memref<2560xf32, #tpu.memory_space<hbm>>
      tpu.wait_dma2 semaphore(%run_scoped3A : memref<!tpu.dma_semaphore, #tpu.memory_space<semaphore_mem>>) src(%dma_wait3A_105 : memref<2560xf32, #tpu.memory_space<hbm>>) dst(%arg20 : memref<2560xf32, #tpu.memory_space<vmem>>)
      tpu.yield
    }) : () -> ()
    "tpu.region"() ({
      %run_scoped3A = tpu.sem_alloc : memref<!tpu.dma_semaphore, #tpu.memory_space<semaphore_mem>>
      %dma_start3A = tpu.memref_slice %arg7[%add3A, %mul3A_21] : memref<4x20480xi32, #tpu.memory_space<hbm>> -> memref<1x2560xi32, #tpu.memory_space<hbm>>
      %dma_start3A_100 = tpu.memref_squeeze %dma_start3A : memref<1x2560xi32, #tpu.memory_space<hbm>> -> memref<2560xi32, #tpu.memory_space<hbm>>
      %dma_start3A_101 = tpu.memref_slice %arg7[%add3A, %mul3A_21] : memref<4x20480xi32, #tpu.memory_space<hbm>> -> memref<1x2560xi32, #tpu.memory_space<hbm>>
      %dma_start3A_102 = tpu.memref_squeeze %dma_start3A_101 : memref<1x2560xi32, #tpu.memory_space<hbm>> -> memref<2560xi32, #tpu.memory_space<hbm>>
      tpu.enqueue_dma source(%dma_start3A_102 : memref<2560xi32, #tpu.memory_space<hbm>>) target(%arg22 : memref<2560xi32, #tpu.memory_space<vmem>>) target_semaphore(%run_scoped3A : memref<!tpu.dma_semaphore, #tpu.memory_space<semaphore_mem>>)
      %dma_wait3A = tpu.memref_slice %arg7[%add3A, %mul3A_21] : memref<4x20480xi32, #tpu.memory_space<hbm>> -> memref<1x2560xi32, #tpu.memory_space<hbm>>
      %dma_wait3A_103 = tpu.memref_squeeze %dma_wait3A : memref<1x2560xi32, #tpu.memory_space<hbm>> -> memref<2560xi32, #tpu.memory_space<hbm>>
      %dma_wait3A_104 = tpu.memref_slice %arg7[%add3A, %mul3A_21] : memref<4x20480xi32, #tpu.memory_space<hbm>> -> memref<1x2560xi32, #tpu.memory_space<hbm>>
      %dma_wait3A_105 = tpu.memref_squeeze %dma_wait3A_104 : memref<1x2560xi32, #tpu.memory_space<hbm>> -> memref<2560xi32, #tpu.memory_space<hbm>>
      tpu.wait_dma2 semaphore(%run_scoped3A : memref<!tpu.dma_semaphore, #tpu.memory_space<semaphore_mem>>) src(%dma_wait3A_105 : memref<2560xi32, #tpu.memory_space<hbm>>) dst(%arg22 : memref<2560xi32, #tpu.memory_space<vmem>>)
      tpu.yield
    }) : () -> ()
    %iota3A = tpu.iota {dimensions = array<i32: 0>} : vector<16xi32>
    %broadcast_in_dim3A = arith.constant -1.000000e+30 : f32
    %broadcast_in_dim3A_22 = vector.broadcast %broadcast_in_dim3A : f32 to vector<16xf32>
    %broadcast_in_dim3A_23 = arith.constant 0 : i32
    %broadcast_in_dim3A_24 = vector.broadcast %broadcast_in_dim3A_23 : i32 to vector<16xi32>
    %scan3A = arith.constant 0 : i32
    %scan3A_25 = arith.constant 160 : i32
    %scan3A_26 = arith.addi %scan3A, %scan3A_25 : i32
    %scan3A_27 = arith.constant 1 : i32
    %scan3A_28:2 = scf.for %scan3A_100 = %scan3A to %scan3A_26 step %scan3A_27 iter_args(%scan3A_101 = %broadcast_in_dim3A_22, %scan3A_102 = %broadcast_in_dim3A_24) -> (vector<16xf32>, vector<16xi32>)  : i32 {
      %mul3A_103 = arith.constant 16 : i32
      %mul3A_104 = arith.muli %scan3A_100, %mul3A_103 : i32
      %get3A = arith.index_cast %mul3A_104 : i32 to index
      %get3A_105 = tpu.vector_load %arg16[%get3A] {strides = array<i32>} : memref<2560xf32, #tpu.memory_space<vmem>>, vector<16xf32>,
      %gt3A = arith.constant 5.000000e-02 : f32
      %gt3A_106 = vector.broadcast %gt3A : f32 to vector<16xf32>
      %gt3A_107 = arith.cmpf ogt, %get3A_105, %gt3A_106 : vector<16xf32>
      %select_n3A_108 = arith.select %gt3A_107, %get3A_105, %broadcast_in_dim3A_22 : vector<16xi1>, vector<16xf32>
      %swap3A_109 = arith.index_cast %mul3A_104 : i32 to index
      %swap3A_110 = tpu.vector_load %arg16[%swap3A_109] {strides = array<i32>} : memref<2560xf32, #tpu.memory_space<vmem>>, vector<16xf32>,
      tpu.vector_store %arg16[%swap3A_109], %select_n3A_108 {strides = array<i32>} : memref<2560xf32, #tpu.memory_space<vmem>>, vector<16xf32>,
      %get3A_111 = arith.index_cast %mul3A_104 : i32 to index
      %get3A_112 = tpu.vector_load %arg17[%get3A_111] {strides = array<i32>} : memref<2560xf32, #tpu.memory_space<vmem>>, vector<16xf32>,
      %get3A_113 = arith.index_cast %mul3A_104 : i32 to index
      %get3A_114 = tpu.vector_load %arg18[%get3A_113] {strides = array<i32>} : memref<2560xf32, #tpu.memory_space<vmem>>, vector<16xf32>,
      %get3A_115 = arith.index_cast %mul3A_104 : i32 to index
      %get3A_116 = tpu.vector_load %arg19[%get3A_115] {strides = array<i32>} : memref<2560xf32, #tpu.memory_space<vmem>>, vector<16xf32>,
      %get3A_117 = arith.index_cast %mul3A_104 : i32 to index
      %get3A_118 = tpu.vector_load %arg20[%get3A_117] {strides = array<i32>} : memref<2560xf32, #tpu.memory_space<vmem>>, vector<16xf32>,
      %sub3A_119 = arith.subf %get3A_116, %get3A_112 : vector<16xf32>
      %sub3A_120 = arith.subf %get3A_118, %get3A_114 : vector<16xf32>
      %mul3A_121 = arith.mulf %sub3A_119, %sub3A_120 : vector<16xf32>
      %swap3A_122 = arith.index_cast %mul3A_104 : i32 to index
      %swap3A_123 = tpu.vector_load %arg21[%swap3A_122] {strides = array<i32>} : memref<2560xf32, #tpu.memory_space<vmem>>, vector<16xf32>,
      tpu.vector_store %arg21[%swap3A_122], %mul3A_121 {strides = array<i32>} : memref<2560xf32, #tpu.memory_space<vmem>>, vector<16xf32>,
      %add3A_124 = arith.addi %mul3A_21, %mul3A_104 : i32
      %add3A_125 = vector.broadcast %add3A_124 : i32 to vector<16xi32>
      %add3A_126 = arith.addi %add3A_125, %iota3A : vector<16xi32>
      %gt3A_127 = arith.cmpf ogt, %select_n3A_108, %scan3A_101 : vector<16xf32>
      %select_n3A_128 = arith.select %gt3A_127, %select_n3A_108, %scan3A_101 : vector<16xi1>, vector<16xf32>
      %select_n3A_129 = arith.select %gt3A_127, %add3A_126, %scan3A_102 : vector<16xi1>, vector<16xi32>
      scf.yield %select_n3A_128, %select_n3A_129 : vector<16xf32>, vector<16xi32>
    }
    %scan3A_29 = arith.constant 160 : i32
    %reduce_max3A = arith.constant true
    %reduce_max3A_30 = vector.broadcast %reduce_max3A : i1 to vector<16xi1>
    %reduce_max3A_31 = tpu.scan <max>, %scan3A_28#0 masked %reduce_max3A_30 : vector<16xf32>, vector<16xi1> -> vector<16xf32>
    %reduce_max3A_32 = vector.extract %reduce_max3A_31[15] : f32 from vector<16xf32>
    %eq3A = vector.broadcast %reduce_max3A_32 : f32 to vector<16xf32>
    %eq3A_33 = arith.cmpf oeq, %scan3A_28#0, %eq3A : vector<16xf32>
    %jit3A_34 = arith.constant 1073741824 : i32
    %broadcast_in_dim3A_35 = vector.broadcast %jit3A_34 : i32 to vector<16xi32>
    %select_n3A_36 = arith.select %eq3A_33, %scan3A_28#1, %broadcast_in_dim3A_35 : vector<16xi1>, vector<16xi32>
    %reduce_min3A = arith.constant true
    %reduce_min3A_37 = vector.broadcast %reduce_min3A : i1 to vector<16xi1>
    %reduce_min3A_38 = arith.constant -2147483648 : i32
    %reduce_min3A_39 = vector.broadcast %reduce_min3A_38 : i32 to vector<16xi32>
    %reduce_min3A_40 = arith.xori %select_n3A_36, %reduce_min3A_39 : vector<16xi32>
    %reduce_min3A_41 = tpu.scan <min>, %reduce_min3A_40 masked %reduce_min3A_37 : vector<16xi32>, vector<16xi1> -> vector<16xi32>
    %reduce_min3A_42 = arith.xori %reduce_min3A_41, %reduce_min3A_39 : vector<16xi32>
    %reduce_min3A_43 = vector.extract %reduce_min3A_42[15] : i32 from vector<16xi32>
    %sub3A_44 = arith.subi %reduce_min3A_43, %mul3A_21 : i32
    %jit3A_45 = arith.constant 0 : i32
    %jit3A_46 = arith.constant 2559 : i32
    %max3A = arith.maxsi %jit3A_45, %sub3A_44 : i32
    %min3A = arith.minsi %jit3A_46, %max3A : i32
    %broadcast_in_dim3A_47 = vector.broadcast %min3A : i32 to vector<16xi32>
    %gather3A = tpu.vector_load_idx %arg17[%broadcast_in_dim3A_47] : memref<2560xf32, #tpu.memory_space<vmem>>[vector<16xi32>], vector<16xf32>,
    %gather3A_48 = tpu.vector_load_idx %arg18[%broadcast_in_dim3A_47] : memref<2560xf32, #tpu.memory_space<vmem>>[vector<16xi32>], vector<16xf32>,
    %gather3A_49 = tpu.vector_load_idx %arg19[%broadcast_in_dim3A_47] : memref<2560xf32, #tpu.memory_space<vmem>>[vector<16xi32>], vector<16xf32>,
    %gather3A_50 = tpu.vector_load_idx %arg20[%broadcast_in_dim3A_47] : memref<2560xf32, #tpu.memory_space<vmem>>[vector<16xi32>], vector<16xf32>,
    %gather3A_51 = tpu.vector_load_idx %arg22[%broadcast_in_dim3A_47] : memref<2560xi32, #tpu.memory_space<vmem>>[vector<16xi32>], vector<16xi32>,
    %eq3A_52 = arith.constant 0 : i32
    %eq3A_53 = vector.broadcast %eq3A_52 : i32 to vector<16xi32>
    %eq3A_54 = arith.cmpi eq, %iota3A, %eq3A_53 : vector<16xi32>
    %jit3A_55 = arith.constant 0.000000e+00 : f32
    %broadcast_in_dim3A_56 = vector.broadcast %reduce_max3A_32 : f32 to vector<16xf32>
    %broadcast_in_dim3A_57 = vector.broadcast %jit3A_55 : f32 to vector<16xf32>
    %select_n3A_58 = arith.select %eq3A_54, %broadcast_in_dim3A_56, %broadcast_in_dim3A_57 : vector<16xi1>, vector<16xf32>
    %eq3A_59 = arith.constant 2 : i32
    %eq3A_60 = vector.broadcast %eq3A_59 : i32 to vector<16xi32>
    %eq3A_61 = arith.cmpi eq, %iota3A, %eq3A_60 : vector<16xi32>
    %select_n3A_62 = arith.select %eq3A_61, %gather3A, %select_n3A_58 : vector<16xi1>, vector<16xf32>
    %eq3A_63 = arith.constant 3 : i32
    %eq3A_64 = vector.broadcast %eq3A_63 : i32 to vector<16xi32>
    %eq3A_65 = arith.cmpi eq, %iota3A, %eq3A_64 : vector<16xi32>
    %select_n3A_66 = arith.select %eq3A_65, %gather3A_48, %select_n3A_62 : vector<16xi1>, vector<16xf32>
    %eq3A_67 = arith.constant 4 : i32
    %eq3A_68 = vector.broadcast %eq3A_67 : i32 to vector<16xi32>
    %eq3A_69 = arith.cmpi eq, %iota3A, %eq3A_68 : vector<16xi32>
    %select_n3A_70 = arith.select %eq3A_69, %gather3A_49, %select_n3A_66 : vector<16xi1>, vector<16xf32>
    %eq3A_71 = arith.constant 5 : i32
    %eq3A_72 = vector.broadcast %eq3A_71 : i32 to vector<16xi32>
    %eq3A_73 = arith.cmpi eq, %iota3A, %eq3A_72 : vector<16xi32>
    %select_n3A_74 = arith.select %eq3A_73, %gather3A_50, %select_n3A_70 : vector<16xi1>, vector<16xf32>
    %bitcast3A = vector.bitcast %select_n3A_74 : vector<16xf32> to vector<16xi32>
    %eq3A_75 = arith.constant 1 : i32
    %eq3A_76 = vector.broadcast %eq3A_75 : i32 to vector<16xi32>
    %eq3A_77 = arith.cmpi eq, %iota3A, %eq3A_76 : vector<16xi32>
    %broadcast_in_dim3A_78 = vector.broadcast %reduce_min3A_43 : i32 to vector<16xi32>
    %select_n3A_79 = arith.select %eq3A_77, %broadcast_in_dim3A_78, %bitcast3A : vector<16xi1>, vector<16xi32>
    %eq3A_80 = arith.constant 6 : i32
    %eq3A_81 = vector.broadcast %eq3A_80 : i32 to vector<16xi32>
    %eq3A_82 = arith.cmpi eq, %iota3A, %eq3A_81 : vector<16xi32>
    %select_n3A_83 = arith.select %eq3A_82, %gather3A_51, %select_n3A_79 : vector<16xi1>, vector<16xi32>
    %swap3A = arith.constant 0 : index
    %swap3A_84 = tpu.vector_load %arg23[%swap3A] {strides = array<i32>} : memref<16xi32, #tpu.memory_space<vmem>>, vector<16xi32>,
    tpu.vector_store %arg23[%swap3A], %select_n3A_83 {strides = array<i32>} : memref<16xi32, #tpu.memory_space<vmem>>, vector<16xi32>,
    %mul3A_85 = arith.constant 8 : i32
    %mul3A_86 = arith.muli %select_n3A, %mul3A_85 : i32
    %add3A_87 = arith.constant 64 : i32
    %add3A_88 = arith.addi %add3A_87, %mul3A_86 : i32
    %add3A_89 = arith.addi %add3A_88, %sub3A_17 : i32
    "tpu.region"() ({
      %run_scoped3A = tpu.sem_alloc : memref<!tpu.dma_semaphore, #tpu.memory_space<semaphore_mem>>
      %dma_start3A = arith.constant 0 : i32
      %dma_start3A_100 = tpu.memref_slice %arg34[%add3A_89, %dma_start3A] : memref<96x16xi32, #tpu.memory_space<vmem_shared>> -> memref<1x16xi32, #tpu.memory_space<vmem_shared>>
      %dma_start3A_101 = tpu.memref_squeeze %dma_start3A_100 : memref<1x16xi32, #tpu.memory_space<vmem_shared>> -> memref<16xi32, #tpu.memory_space<vmem_shared>>
      %dma_start3A_102 = arith.constant 0 : i32
      %dma_start3A_103 = tpu.memref_slice %arg34[%add3A_89, %dma_start3A_102] : memref<96x16xi32, #tpu.memory_space<vmem_shared>> -> memref<1x16xi32, #tpu.memory_space<vmem_shared>>
      %dma_start3A_104 = tpu.memref_squeeze %dma_start3A_103 : memref<1x16xi32, #tpu.memory_space<vmem_shared>> -> memref<16xi32, #tpu.memory_space<vmem_shared>>
      tpu.enqueue_dma source(%arg23 : memref<16xi32, #tpu.memory_space<vmem>>) target(%dma_start3A_104 : memref<16xi32, #tpu.memory_space<vmem_shared>>) target_semaphore(%run_scoped3A : memref<!tpu.dma_semaphore, #tpu.memory_space<semaphore_mem>>)
      %dma_wait3A = arith.constant 0 : i32
      %dma_wait3A_105 = tpu.memref_slice %arg34[%add3A_89, %dma_wait3A] : memref<96x16xi32, #tpu.memory_space<vmem_shared>> -> memref<1x16xi32, #tpu.memory_space<vmem_shared>>
      %dma_wait3A_106 = tpu.memref_squeeze %dma_wait3A_105 : memref<1x16xi32, #tpu.memory_space<vmem_shared>> -> memref<16xi32, #tpu.memory_space<vmem_shared>>
      %dma_wait3A_107 = arith.constant 0 : i32
      %dma_wait3A_108 = tpu.memref_slice %arg34[%add3A_89, %dma_wait3A_107] : memref<96x16xi32, #tpu.memory_space<vmem_shared>> -> memref<1x16xi32, #tpu.memory_space<vmem_shared>>
      %dma_wait3A_109 = tpu.memref_squeeze %dma_wait3A_108 : memref<1x16xi32, #tpu.memory_space<vmem_shared>> -> memref<16xi32, #tpu.memory_space<vmem_shared>>
      tpu.wait_dma2 semaphore(%run_scoped3A : memref<!tpu.dma_semaphore, #tpu.memory_space<semaphore_mem>>) src(%arg23 : memref<16xi32, #tpu.memory_space<vmem>>) dst(%dma_wait3A_109 : memref<16xi32, #tpu.memory_space<vmem_shared>>)
      tpu.yield
    }) : () -> ()
    %scan3A_90 = arith.constant 0 : i32
    %scan3A_91 = arith.constant 0 : i32
    %scan3A_92 = arith.constant 100 : i32
    %scan3A_93 = arith.addi %scan3A_91, %scan3A_92 : i32
    %scan3A_94 = arith.constant 1 : i32
    %scan3A_95 = scf.for %scan3A_100 = %scan3A_91 to %scan3A_93 step %scan3A_94 iter_args(%scan3A_101 = %scan3A_90) -> (i32)  : i32 {
      %rem3A_102 = arith.constant 2 : i32
      %rem3A_103 = arith.remsi %scan3A_100, %rem3A_102 : i32
      %barrier3A = arith.constant 0 : index
      tpu.barrier barrier_id(%barrier3A)
      %mul3A_104 = arith.constant 16 : i32
      %mul3A_105 = arith.muli %rem3A_103, %mul3A_104 : i32
      %add3A_106 = arith.constant 64 : i32
      %add3A_107 = arith.addi %add3A_106, %mul3A_105 : i32
      %mul3A_108 = arith.constant 8 : i32
      %mul3A_109 = arith.muli %select_n3A, %mul3A_108 : i32
      %add3A_110 = arith.addi %add3A_107, %mul3A_109 : i32
      %add3A_111 = arith.constant 0 : i32
      %add3A_112 = arith.addi %add3A_110, %add3A_111 : i32
      %dma_start3A = arith.constant 0 : i32
      %dma_start3A_113 = arith.constant 0 : i32
      %dma_start3A_114 = tpu.memref_slice %arg24[%dma_start3A, %dma_start3A_113] : memref<8x16xi32, #tpu.memory_space<vmem>> -> memref<1x16xi32, #tpu.memory_space<vmem>>
      %dma_start3A_115 = tpu.memref_squeeze %dma_start3A_114 : memref<1x16xi32, #tpu.memory_space<vmem>> -> memref<16xi32, #tpu.memory_space<vmem>>
      %dma_start3A_116 = arith.constant 0 : i32
      %dma_start3A_117 = tpu.memref_slice %arg34[%add3A_112, %dma_start3A_116] : memref<96x16xi32, #tpu.memory_space<vmem_shared>> -> memref<1x16xi32, #tpu.memory_space<vmem_shared>>
      %dma_start3A_118 = tpu.memref_squeeze %dma_start3A_117 : memref<1x16xi32, #tpu.memory_space<vmem_shared>> -> memref<16xi32, #tpu.memory_space<vmem_shared>>
      %dma_start3A_119 = arith.constant 0 : i32
      %dma_start3A_120 = tpu.memref_slice %arg24[%dma_start3A, %dma_start3A_119] : memref<8x16xi32, #tpu.memory_space<vmem>> -> memref<1x16xi32, #tpu.memory_space<vmem>>
      %dma_start3A_121 = tpu.memref_squeeze %dma_start3A_120 : memref<1x16xi32, #tpu.memory_space<vmem>> -> memref<16xi32, #tpu.memory_space<vmem>>
      %dma_start3A_122 = arith.constant 0 : i32
      %dma_start3A_123 = tpu.memref_slice %arg34[%add3A_112, %dma_start3A_122] : memref<96x16xi32, #tpu.memory_space<vmem_shared>> -> memref<1x16xi32, #tpu.memory_space<vmem_shared>>
      %dma_start3A_124 = tpu.memref_squeeze %dma_start3A_123 : memref<1x16xi32, #tpu.memory_space<vmem_shared>> -> memref<16xi32, #tpu.memory_space<vmem_shared>>
      tpu.enqueue_dma source(%dma_start3A_124 : memref<16xi32, #tpu.memory_space<vmem_shared>>) target(%dma_start3A_121 : memref<16xi32, #tpu.memory_space<vmem>>) target_semaphore(%arg25 : memref<!tpu.dma_semaphore, #tpu.memory_space<semaphore_mem>>)
      %add3A_125 = arith.constant 1 : i32
      %add3A_126 = arith.addi %add3A_110, %add3A_125 : i32
      %dma_start3A_127 = arith.constant 1 : i32
      %dma_start3A_128 = arith.constant 0 : i32
      %dma_start3A_129 = tpu.memref_slice %arg24[%dma_start3A_127, %dma_start3A_128] : memref<8x16xi32, #tpu.memory_space<vmem>> -> memref<1x16xi32, #tpu.memory_space<vmem>>
      %dma_start3A_130 = tpu.memref_squeeze %dma_start3A_129 : memref<1x16xi32, #tpu.memory_space<vmem>> -> memref<16xi32, #tpu.memory_space<vmem>>
      %dma_start3A_131 = arith.constant 0 : i32
      %dma_start3A_132 = tpu.memref_slice %arg34[%add3A_126, %dma_start3A_131] : memref<96x16xi32, #tpu.memory_space<vmem_shared>> -> memref<1x16xi32, #tpu.memory_space<vmem_shared>>
      %dma_start3A_133 = tpu.memref_squeeze %dma_start3A_132 : memref<1x16xi32, #tpu.memory_space<vmem_shared>> -> memref<16xi32, #tpu.memory_space<vmem_shared>>
      %dma_start3A_134 = arith.constant 0 : i32
      %dma_start3A_135 = tpu.memref_slice %arg24[%dma_start3A_127, %dma_start3A_134] : memref<8x16xi32, #tpu.memory_space<vmem>> -> memref<1x16xi32, #tpu.memory_space<vmem>>
      %dma_start3A_136 = tpu.memref_squeeze %dma_start3A_135 : memref<1x16xi32, #tpu.memory_space<vmem>> -> memref<16xi32, #tpu.memory_space<vmem>>
      %dma_start3A_137 = arith.constant 0 : i32
      %dma_start3A_138 = tpu.memref_slice %arg34[%add3A_126, %dma_start3A_137] : memref<96x16xi32, #tpu.memory_space<vmem_shared>> -> memref<1x16xi32, #tpu.memory_space<vmem_shared>>
      %dma_start3A_139 = tpu.memref_squeeze %dma_start3A_138 : memref<1x16xi32, #tpu.memory_space<vmem_shared>> -> memref<16xi32, #tpu.memory_space<vmem_shared>>
      tpu.enqueue_dma source(%dma_start3A_139 : memref<16xi32, #tpu.memory_space<vmem_shared>>) target(%dma_start3A_136 : memref<16xi32, #tpu.memory_space<vmem>>) target_semaphore(%arg25 : memref<!tpu.dma_semaphore, #tpu.memory_space<semaphore_mem>>)
      %add3A_140 = arith.constant 2 : i32
      %add3A_141 = arith.addi %add3A_110, %add3A_140 : i32
      %dma_start3A_142 = arith.constant 2 : i32
      %dma_start3A_143 = arith.constant 0 : i32
      %dma_start3A_144 = tpu.memref_slice %arg24[%dma_start3A_142, %dma_start3A_143] : memref<8x16xi32, #tpu.memory_space<vmem>> -> memref<1x16xi32, #tpu.memory_space<vmem>>
      %dma_start3A_145 = tpu.memref_squeeze %dma_start3A_144 : memref<1x16xi32, #tpu.memory_space<vmem>> -> memref<16xi32, #tpu.memory_space<vmem>>
      %dma_start3A_146 = arith.constant 0 : i32
      %dma_start3A_147 = tpu.memref_slice %arg34[%add3A_141, %dma_start3A_146] : memref<96x16xi32, #tpu.memory_space<vmem_shared>> -> memref<1x16xi32, #tpu.memory_space<vmem_shared>>
      %dma_start3A_148 = tpu.memref_squeeze %dma_start3A_147 : memref<1x16xi32, #tpu.memory_space<vmem_shared>> -> memref<16xi32, #tpu.memory_space<vmem_shared>>
      %dma_start3A_149 = arith.constant 0 : i32
      %dma_start3A_150 = tpu.memref_slice %arg24[%dma_start3A_142, %dma_start3A_149] : memref<8x16xi32, #tpu.memory_space<vmem>> -> memref<1x16xi32, #tpu.memory_space<vmem>>
      %dma_start3A_151 = tpu.memref_squeeze %dma_start3A_150 : memref<1x16xi32, #tpu.memory_space<vmem>> -> memref<16xi32, #tpu.memory_space<vmem>>
      %dma_start3A_152 = arith.constant 0 : i32
      %dma_start3A_153 = tpu.memref_slice %arg34[%add3A_141, %dma_start3A_152] : memref<96x16xi32, #tpu.memory_space<vmem_shared>> -> memref<1x16xi32, #tpu.memory_space<vmem_shared>>
      %dma_start3A_154 = tpu.memref_squeeze %dma_start3A_153 : memref<1x16xi32, #tpu.memory_space<vmem_shared>> -> memref<16xi32, #tpu.memory_space<vmem_shared>>
      tpu.enqueue_dma source(%dma_start3A_154 : memref<16xi32, #tpu.memory_space<vmem_shared>>) target(%dma_start3A_151 : memref<16xi32, #tpu.memory_space<vmem>>) target_semaphore(%arg25 : memref<!tpu.dma_semaphore, #tpu.memory_space<semaphore_mem>>)
      %add3A_155 = arith.constant 3 : i32
      %add3A_156 = arith.addi %add3A_110, %add3A_155 : i32
      %dma_start3A_157 = arith.constant 3 : i32
      %dma_start3A_158 = arith.constant 0 : i32
      %dma_start3A_159 = tpu.memref_slice %arg24[%dma_start3A_157, %dma_start3A_158] : memref<8x16xi32, #tpu.memory_space<vmem>> -> memref<1x16xi32, #tpu.memory_space<vmem>>
      %dma_start3A_160 = tpu.memref_squeeze %dma_start3A_159 : memref<1x16xi32, #tpu.memory_space<vmem>> -> memref<16xi32, #tpu.memory_space<vmem>>
      %dma_start3A_161 = arith.constant 0 : i32
      %dma_start3A_162 = tpu.memref_slice %arg34[%add3A_156, %dma_start3A_161] : memref<96x16xi32, #tpu.memory_space<vmem_shared>> -> memref<1x16xi32, #tpu.memory_space<vmem_shared>>
      %dma_start3A_163 = tpu.memref_squeeze %dma_start3A_162 : memref<1x16xi32, #tpu.memory_space<vmem_shared>> -> memref<16xi32, #tpu.memory_space<vmem_shared>>
      %dma_start3A_164 = arith.constant 0 : i32
      %dma_start3A_165 = tpu.memref_slice %arg24[%dma_start3A_157, %dma_start3A_164] : memref<8x16xi32, #tpu.memory_space<vmem>> -> memref<1x16xi32, #tpu.memory_space<vmem>>
      %dma_start3A_166 = tpu.memref_squeeze %dma_start3A_165 : memref<1x16xi32, #tpu.memory_space<vmem>> -> memref<16xi32, #tpu.memory_space<vmem>>
      %dma_start3A_167 = arith.constant 0 : i32
      %dma_start3A_168 = tpu.memref_slice %arg34[%add3A_156, %dma_start3A_167] : memref<96x16xi32, #tpu.memory_space<vmem_shared>> -> memref<1x16xi32, #tpu.memory_space<vmem_shared>>
      %dma_start3A_169 = tpu.memref_squeeze %dma_start3A_168 : memref<1x16xi32, #tpu.memory_space<vmem_shared>> -> memref<16xi32, #tpu.memory_space<vmem_shared>>
      tpu.enqueue_dma source(%dma_start3A_169 : memref<16xi32, #tpu.memory_space<vmem_shared>>) target(%dma_start3A_166 : memref<16xi32, #tpu.memory_space<vmem>>) target_semaphore(%arg25 : memref<!tpu.dma_semaphore, #tpu.memory_space<semaphore_mem>>)
      %add3A_170 = arith.constant 4 : i32
      %add3A_171 = arith.addi %add3A_110, %add3A_170 : i32
      %dma_start3A_172 = arith.constant 4 : i32
      %dma_start3A_173 = arith.constant 0 : i32
      %dma_start3A_174 = tpu.memref_slice %arg24[%dma_start3A_172, %dma_start3A_173] : memref<8x16xi32, #tpu.memory_space<vmem>> -> memref<1x16xi32, #tpu.memory_space<vmem>>
      %dma_start3A_175 = tpu.memref_squeeze %dma_start3A_174 : memref<1x16xi32, #tpu.memory_space<vmem>> -> memref<16xi32, #tpu.memory_space<vmem>>
      %dma_start3A_176 = arith.constant 0 : i32
      %dma_start3A_177 = tpu.memref_slice %arg34[%add3A_171, %dma_start3A_176] : memref<96x16xi32, #tpu.memory_space<vmem_shared>> -> memref<1x16xi32, #tpu.memory_space<vmem_shared>>
      %dma_start3A_178 = tpu.memref_squeeze %dma_start3A_177 : memref<1x16xi32, #tpu.memory_space<vmem_shared>> -> memref<16xi32, #tpu.memory_space<vmem_shared>>
      %dma_start3A_179 = arith.constant 0 : i32
      %dma_start3A_180 = tpu.memref_slice %arg24[%dma_start3A_172, %dma_start3A_179] : memref<8x16xi32, #tpu.memory_space<vmem>> -> memref<1x16xi32, #tpu.memory_space<vmem>>
      %dma_start3A_181 = tpu.memref_squeeze %dma_start3A_180 : memref<1x16xi32, #tpu.memory_space<vmem>> -> memref<16xi32, #tpu.memory_space<vmem>>
      %dma_start3A_182 = arith.constant 0 : i32
      %dma_start3A_183 = tpu.memref_slice %arg34[%add3A_171, %dma_start3A_182] : memref<96x16xi32, #tpu.memory_space<vmem_shared>> -> memref<1x16xi32, #tpu.memory_space<vmem_shared>>
      %dma_start3A_184 = tpu.memref_squeeze %dma_start3A_183 : memref<1x16xi32, #tpu.memory_space<vmem_shared>> -> memref<16xi32, #tpu.memory_space<vmem_shared>>
      tpu.enqueue_dma source(%dma_start3A_184 : memref<16xi32, #tpu.memory_space<vmem_shared>>) target(%dma_start3A_181 : memref<16xi32, #tpu.memory_space<vmem>>) target_semaphore(%arg25 : memref<!tpu.dma_semaphore, #tpu.memory_space<semaphore_mem>>)
      %add3A_185 = arith.constant 5 : i32
      %add3A_186 = arith.addi %add3A_110, %add3A_185 : i32
      %dma_start3A_187 = arith.constant 5 : i32
      %dma_start3A_188 = arith.constant 0 : i32
      %dma_start3A_189 = tpu.memref_slice %arg24[%dma_start3A_187, %dma_start3A_188] : memref<8x16xi32, #tpu.memory_space<vmem>> -> memref<1x16xi32, #tpu.memory_space<vmem>>
      %dma_start3A_190 = tpu.memref_squeeze %dma_start3A_189 : memref<1x16xi32, #tpu.memory_space<vmem>> -> memref<16xi32, #tpu.memory_space<vmem>>
      %dma_start3A_191 = arith.constant 0 : i32
      %dma_start3A_192 = tpu.memref_slice %arg34[%add3A_186, %dma_start3A_191] : memref<96x16xi32, #tpu.memory_space<vmem_shared>> -> memref<1x16xi32, #tpu.memory_space<vmem_shared>>
      %dma_start3A_193 = tpu.memref_squeeze %dma_start3A_192 : memref<1x16xi32, #tpu.memory_space<vmem_shared>> -> memref<16xi32, #tpu.memory_space<vmem_shared>>
      %dma_start3A_194 = arith.constant 0 : i32
      %dma_start3A_195 = tpu.memref_slice %arg24[%dma_start3A_187, %dma_start3A_194] : memref<8x16xi32, #tpu.memory_space<vmem>> -> memref<1x16xi32, #tpu.memory_space<vmem>>
      %dma_start3A_196 = tpu.memref_squeeze %dma_start3A_195 : memref<1x16xi32, #tpu.memory_space<vmem>> -> memref<16xi32, #tpu.memory_space<vmem>>
      %dma_start3A_197 = arith.constant 0 : i32
      %dma_start3A_198 = tpu.memref_slice %arg34[%add3A_186, %dma_start3A_197] : memref<96x16xi32, #tpu.memory_space<vmem_shared>> -> memref<1x16xi32, #tpu.memory_space<vmem_shared>>
      %dma_start3A_199 = tpu.memref_squeeze %dma_start3A_198 : memref<1x16xi32, #tpu.memory_space<vmem_shared>> -> memref<16xi32, #tpu.memory_space<vmem_shared>>
      tpu.enqueue_dma source(%dma_start3A_199 : memref<16xi32, #tpu.memory_space<vmem_shared>>) target(%dma_start3A_196 : memref<16xi32, #tpu.memory_space<vmem>>) target_semaphore(%arg25 : memref<!tpu.dma_semaphore, #tpu.memory_space<semaphore_mem>>)
      %add3A_200 = arith.constant 6 : i32
      %add3A_201 = arith.addi %add3A_110, %add3A_200 : i32
      %dma_start3A_202 = arith.constant 6 : i32
      %dma_start3A_203 = arith.constant 0 : i32
      %dma_start3A_204 = tpu.memref_slice %arg24[%dma_start3A_202, %dma_start3A_203] : memref<8x16xi32, #tpu.memory_space<vmem>> -> memref<1x16xi32, #tpu.memory_space<vmem>>
      %dma_start3A_205 = tpu.memref_squeeze %dma_start3A_204 : memref<1x16xi32, #tpu.memory_space<vmem>> -> memref<16xi32, #tpu.memory_space<vmem>>
      %dma_start3A_206 = arith.constant 0 : i32
      %dma_start3A_207 = tpu.memref_slice %arg34[%add3A_201, %dma_start3A_206] : memref<96x16xi32, #tpu.memory_space<vmem_shared>> -> memref<1x16xi32, #tpu.memory_space<vmem_shared>>
      %dma_start3A_208 = tpu.memref_squeeze %dma_start3A_207 : memref<1x16xi32, #tpu.memory_space<vmem_shared>> -> memref<16xi32, #tpu.memory_space<vmem_shared>>
      %dma_start3A_209 = arith.constant 0 : i32
      %dma_start3A_210 = tpu.memref_slice %arg24[%dma_start3A_202, %dma_start3A_209] : memref<8x16xi32, #tpu.memory_space<vmem>> -> memref<1x16xi32, #tpu.memory_space<vmem>>
      %dma_start3A_211 = tpu.memref_squeeze %dma_start3A_210 : memref<1x16xi32, #tpu.memory_space<vmem>> -> memref<16xi32, #tpu.memory_space<vmem>>
      %dma_start3A_212 = arith.constant 0 : i32
      %dma_start3A_213 = tpu.memref_slice %arg34[%add3A_201, %dma_start3A_212] : memref<96x16xi32, #tpu.memory_space<vmem_shared>> -> memref<1x16xi32, #tpu.memory_space<vmem_shared>>
      %dma_start3A_214 = tpu.memref_squeeze %dma_start3A_213 : memref<1x16xi32, #tpu.memory_space<vmem_shared>> -> memref<16xi32, #tpu.memory_space<vmem_shared>>
      tpu.enqueue_dma source(%dma_start3A_214 : memref<16xi32, #tpu.memory_space<vmem_shared>>) target(%dma_start3A_211 : memref<16xi32, #tpu.memory_space<vmem>>) target_semaphore(%arg25 : memref<!tpu.dma_semaphore, #tpu.memory_space<semaphore_mem>>)
      %add3A_215 = arith.constant 7 : i32
      %add3A_216 = arith.addi %add3A_110, %add3A_215 : i32
      %dma_start3A_217 = arith.constant 7 : i32
      %dma_start3A_218 = arith.constant 0 : i32
      %dma_start3A_219 = tpu.memref_slice %arg24[%dma_start3A_217, %dma_start3A_218] : memref<8x16xi32, #tpu.memory_space<vmem>> -> memref<1x16xi32, #tpu.memory_space<vmem>>
      %dma_start3A_220 = tpu.memref_squeeze %dma_start3A_219 : memref<1x16xi32, #tpu.memory_space<vmem>> -> memref<16xi32, #tpu.memory_space<vmem>>
      %dma_start3A_221 = arith.constant 0 : i32
      %dma_start3A_222 = tpu.memref_slice %arg34[%add3A_216, %dma_start3A_221] : memref<96x16xi32, #tpu.memory_space<vmem_shared>> -> memref<1x16xi32, #tpu.memory_space<vmem_shared>>
      %dma_start3A_223 = tpu.memref_squeeze %dma_start3A_222 : memref<1x16xi32, #tpu.memory_space<vmem_shared>> -> memref<16xi32, #tpu.memory_space<vmem_shared>>
      %dma_start3A_224 = arith.constant 0 : i32
      %dma_start3A_225 = tpu.memref_slice %arg24[%dma_start3A_217, %dma_start3A_224] : memref<8x16xi32, #tpu.memory_space<vmem>> -> memref<1x16xi32, #tpu.memory_space<vmem>>
      %dma_start3A_226 = tpu.memref_squeeze %dma_start3A_225 : memref<1x16xi32, #tpu.memory_space<vmem>> -> memref<16xi32, #tpu.memory_space<vmem>>
      %dma_start3A_227 = arith.constant 0 : i32
      %dma_start3A_228 = tpu.memref_slice %arg34[%add3A_216, %dma_start3A_227] : memref<96x16xi32, #tpu.memory_space<vmem_shared>> -> memref<1x16xi32, #tpu.memory_space<vmem_shared>>
      %dma_start3A_229 = tpu.memref_squeeze %dma_start3A_228 : memref<1x16xi32, #tpu.memory_space<vmem_shared>> -> memref<16xi32, #tpu.memory_space<vmem_shared>>
      tpu.enqueue_dma source(%dma_start3A_229 : memref<16xi32, #tpu.memory_space<vmem_shared>>) target(%dma_start3A_226 : memref<16xi32, #tpu.memory_space<vmem>>) target_semaphore(%arg25 : memref<!tpu.dma_semaphore, #tpu.memory_space<semaphore_mem>>)
      %dma_wait3A = arith.constant 0 : i32
      %dma_wait3A_230 = arith.constant 0 : i32
      %dma_wait3A_231 = tpu.memref_slice %arg24[%dma_wait3A, %dma_wait3A_230] : memref<8x16xi32, #tpu.memory_space<vmem>> -> memref<1x16xi32, #tpu.memory_space<vmem>>
      %dma_wait3A_232 = tpu.memref_squeeze %dma_wait3A_231 : memref<1x16xi32, #tpu.memory_space<vmem>> -> memref<16xi32, #tpu.memory_space<vmem>>
      %dma_wait3A_233 = arith.constant 0 : i32
      %dma_wait3A_234 = tpu.memref_slice %arg34[%add3A_112, %dma_wait3A_233] : memref<96x16xi32, #tpu.memory_space<vmem_shared>> -> memref<1x16xi32, #tpu.memory_space<vmem_shared>>
      %dma_wait3A_235 = tpu.memref_squeeze %dma_wait3A_234 : memref<1x16xi32, #tpu.memory_space<vmem_shared>> -> memref<16xi32, #tpu.memory_space<vmem_shared>>
      %dma_wait3A_236 = arith.constant 0 : i32
      %dma_wait3A_237 = tpu.memref_slice %arg24[%dma_wait3A, %dma_wait3A_236] : memref<8x16xi32, #tpu.memory_space<vmem>> -> memref<1x16xi32, #tpu.memory_space<vmem>>
      %dma_wait3A_238 = tpu.memref_squeeze %dma_wait3A_237 : memref<1x16xi32, #tpu.memory_space<vmem>> -> memref<16xi32, #tpu.memory_space<vmem>>
      %dma_wait3A_239 = arith.constant 0 : i32
      %dma_wait3A_240 = tpu.memref_slice %arg34[%add3A_112, %dma_wait3A_239] : memref<96x16xi32, #tpu.memory_space<vmem_shared>> -> memref<1x16xi32, #tpu.memory_space<vmem_shared>>
      %dma_wait3A_241 = tpu.memref_squeeze %dma_wait3A_240 : memref<1x16xi32, #tpu.memory_space<vmem_shared>> -> memref<16xi32, #tpu.memory_space<vmem_shared>>
      tpu.wait_dma2 semaphore(%arg25 : memref<!tpu.dma_semaphore, #tpu.memory_space<semaphore_mem>>) src(%dma_wait3A_241 : memref<16xi32, #tpu.memory_space<vmem_shared>>) dst(%dma_wait3A_238 : memref<16xi32, #tpu.memory_space<vmem>>)
      %dma_wait3A_242 = arith.constant 1 : i32
      %dma_wait3A_243 = arith.constant 0 : i32
      %dma_wait3A_244 = tpu.memref_slice %arg24[%dma_wait3A_242, %dma_wait3A_243] : memref<8x16xi32, #tpu.memory_space<vmem>> -> memref<1x16xi32, #tpu.memory_space<vmem>>
      %dma_wait3A_245 = tpu.memref_squeeze %dma_wait3A_244 : memref<1x16xi32, #tpu.memory_space<vmem>> -> memref<16xi32, #tpu.memory_space<vmem>>
      %dma_wait3A_246 = arith.constant 0 : i32
      %dma_wait3A_247 = tpu.memref_slice %arg34[%add3A_126, %dma_wait3A_246] : memref<96x16xi32, #tpu.memory_space<vmem_shared>> -> memref<1x16xi32, #tpu.memory_space<vmem_shared>>
      %dma_wait3A_248 = tpu.memref_squeeze %dma_wait3A_247 : memref<1x16xi32, #tpu.memory_space<vmem_shared>> -> memref<16xi32, #tpu.memory_space<vmem_shared>>
      %dma_wait3A_249 = arith.constant 0 : i32
      %dma_wait3A_250 = tpu.memref_slice %arg24[%dma_wait3A_242, %dma_wait3A_249] : memref<8x16xi32, #tpu.memory_space<vmem>> -> memref<1x16xi32, #tpu.memory_space<vmem>>
      %dma_wait3A_251 = tpu.memref_squeeze %dma_wait3A_250 : memref<1x16xi32, #tpu.memory_space<vmem>> -> memref<16xi32, #tpu.memory_space<vmem>>
      %dma_wait3A_252 = arith.constant 0 : i32
      %dma_wait3A_253 = tpu.memref_slice %arg34[%add3A_126, %dma_wait3A_252] : memref<96x16xi32, #tpu.memory_space<vmem_shared>> -> memref<1x16xi32, #tpu.memory_space<vmem_shared>>
      %dma_wait3A_254 = tpu.memref_squeeze %dma_wait3A_253 : memref<1x16xi32, #tpu.memory_space<vmem_shared>> -> memref<16xi32, #tpu.memory_space<vmem_shared>>
      tpu.wait_dma2 semaphore(%arg25 : memref<!tpu.dma_semaphore, #tpu.memory_space<semaphore_mem>>) src(%dma_wait3A_254 : memref<16xi32, #tpu.memory_space<vmem_shared>>) dst(%dma_wait3A_251 : memref<16xi32, #tpu.memory_space<vmem>>)
      %dma_wait3A_255 = arith.constant 2 : i32
      %dma_wait3A_256 = arith.constant 0 : i32
      %dma_wait3A_257 = tpu.memref_slice %arg24[%dma_wait3A_255, %dma_wait3A_256] : memref<8x16xi32, #tpu.memory_space<vmem>> -> memref<1x16xi32, #tpu.memory_space<vmem>>
      %dma_wait3A_258 = tpu.memref_squeeze %dma_wait3A_257 : memref<1x16xi32, #tpu.memory_space<vmem>> -> memref<16xi32, #tpu.memory_space<vmem>>
      %dma_wait3A_259 = arith.constant 0 : i32
      %dma_wait3A_260 = tpu.memref_slice %arg34[%add3A_141, %dma_wait3A_259] : memref<96x16xi32, #tpu.memory_space<vmem_shared>> -> memref<1x16xi32, #tpu.memory_space<vmem_shared>>
      %dma_wait3A_261 = tpu.memref_squeeze %dma_wait3A_260 : memref<1x16xi32, #tpu.memory_space<vmem_shared>> -> memref<16xi32, #tpu.memory_space<vmem_shared>>
      %dma_wait3A_262 = arith.constant 0 : i32
      %dma_wait3A_263 = tpu.memref_slice %arg24[%dma_wait3A_255, %dma_wait3A_262] : memref<8x16xi32, #tpu.memory_space<vmem>> -> memref<1x16xi32, #tpu.memory_space<vmem>>
      %dma_wait3A_264 = tpu.memref_squeeze %dma_wait3A_263 : memref<1x16xi32, #tpu.memory_space<vmem>> -> memref<16xi32, #tpu.memory_space<vmem>>
      %dma_wait3A_265 = arith.constant 0 : i32
      %dma_wait3A_266 = tpu.memref_slice %arg34[%add3A_141, %dma_wait3A_265] : memref<96x16xi32, #tpu.memory_space<vmem_shared>> -> memref<1x16xi32, #tpu.memory_space<vmem_shared>>
      %dma_wait3A_267 = tpu.memref_squeeze %dma_wait3A_266 : memref<1x16xi32, #tpu.memory_space<vmem_shared>> -> memref<16xi32, #tpu.memory_space<vmem_shared>>
      tpu.wait_dma2 semaphore(%arg25 : memref<!tpu.dma_semaphore, #tpu.memory_space<semaphore_mem>>) src(%dma_wait3A_267 : memref<16xi32, #tpu.memory_space<vmem_shared>>) dst(%dma_wait3A_264 : memref<16xi32, #tpu.memory_space<vmem>>)
      %dma_wait3A_268 = arith.constant 3 : i32
      %dma_wait3A_269 = arith.constant 0 : i32
      %dma_wait3A_270 = tpu.memref_slice %arg24[%dma_wait3A_268, %dma_wait3A_269] : memref<8x16xi32, #tpu.memory_space<vmem>> -> memref<1x16xi32, #tpu.memory_space<vmem>>
      %dma_wait3A_271 = tpu.memref_squeeze %dma_wait3A_270 : memref<1x16xi32, #tpu.memory_space<vmem>> -> memref<16xi32, #tpu.memory_space<vmem>>
      %dma_wait3A_272 = arith.constant 0 : i32
      %dma_wait3A_273 = tpu.memref_slice %arg34[%add3A_156, %dma_wait3A_272] : memref<96x16xi32, #tpu.memory_space<vmem_shared>> -> memref<1x16xi32, #tpu.memory_space<vmem_shared>>
      %dma_wait3A_274 = tpu.memref_squeeze %dma_wait3A_273 : memref<1x16xi32, #tpu.memory_space<vmem_shared>> -> memref<16xi32, #tpu.memory_space<vmem_shared>>
      %dma_wait3A_275 = arith.constant 0 : i32
      %dma_wait3A_276 = tpu.memref_slice %arg24[%dma_wait3A_268, %dma_wait3A_275] : memref<8x16xi32, #tpu.memory_space<vmem>> -> memref<1x16xi32, #tpu.memory_space<vmem>>
      %dma_wait3A_277 = tpu.memref_squeeze %dma_wait3A_276 : memref<1x16xi32, #tpu.memory_space<vmem>> -> memref<16xi32, #tpu.memory_space<vmem>>
      %dma_wait3A_278 = arith.constant 0 : i32
      %dma_wait3A_279 = tpu.memref_slice %arg34[%add3A_156, %dma_wait3A_278] : memref<96x16xi32, #tpu.memory_space<vmem_shared>> -> memref<1x16xi32, #tpu.memory_space<vmem_shared>>
      %dma_wait3A_280 = tpu.memref_squeeze %dma_wait3A_279 : memref<1x16xi32, #tpu.memory_space<vmem_shared>> -> memref<16xi32, #tpu.memory_space<vmem_shared>>
      tpu.wait_dma2 semaphore(%arg25 : memref<!tpu.dma_semaphore, #tpu.memory_space<semaphore_mem>>) src(%dma_wait3A_280 : memref<16xi32, #tpu.memory_space<vmem_shared>>) dst(%dma_wait3A_277 : memref<16xi32, #tpu.memory_space<vmem>>)
      %dma_wait3A_281 = arith.constant 4 : i32
      %dma_wait3A_282 = arith.constant 0 : i32
      %dma_wait3A_283 = tpu.memref_slice %arg24[%dma_wait3A_281, %dma_wait3A_282] : memref<8x16xi32, #tpu.memory_space<vmem>> -> memref<1x16xi32, #tpu.memory_space<vmem>>
      %dma_wait3A_284 = tpu.memref_squeeze %dma_wait3A_283 : memref<1x16xi32, #tpu.memory_space<vmem>> -> memref<16xi32, #tpu.memory_space<vmem>>
      %dma_wait3A_285 = arith.constant 0 : i32
      %dma_wait3A_286 = tpu.memref_slice %arg34[%add3A_171, %dma_wait3A_285] : memref<96x16xi32, #tpu.memory_space<vmem_shared>> -> memref<1x16xi32, #tpu.memory_space<vmem_shared>>
      %dma_wait3A_287 = tpu.memref_squeeze %dma_wait3A_286 : memref<1x16xi32, #tpu.memory_space<vmem_shared>> -> memref<16xi32, #tpu.memory_space<vmem_shared>>
      %dma_wait3A_288 = arith.constant 0 : i32
      %dma_wait3A_289 = tpu.memref_slice %arg24[%dma_wait3A_281, %dma_wait3A_288] : memref<8x16xi32, #tpu.memory_space<vmem>> -> memref<1x16xi32, #tpu.memory_space<vmem>>
      %dma_wait3A_290 = tpu.memref_squeeze %dma_wait3A_289 : memref<1x16xi32, #tpu.memory_space<vmem>> -> memref<16xi32, #tpu.memory_space<vmem>>
      %dma_wait3A_291 = arith.constant 0 : i32
      %dma_wait3A_292 = tpu.memref_slice %arg34[%add3A_171, %dma_wait3A_291] : memref<96x16xi32, #tpu.memory_space<vmem_shared>> -> memref<1x16xi32, #tpu.memory_space<vmem_shared>>
      %dma_wait3A_293 = tpu.memref_squeeze %dma_wait3A_292 : memref<1x16xi32, #tpu.memory_space<vmem_shared>> -> memref<16xi32, #tpu.memory_space<vmem_shared>>
      tpu.wait_dma2 semaphore(%arg25 : memref<!tpu.dma_semaphore, #tpu.memory_space<semaphore_mem>>) src(%dma_wait3A_293 : memref<16xi32, #tpu.memory_space<vmem_shared>>) dst(%dma_wait3A_290 : memref<16xi32, #tpu.memory_space<vmem>>)
      %dma_wait3A_294 = arith.constant 5 : i32
      %dma_wait3A_295 = arith.constant 0 : i32
      %dma_wait3A_296 = tpu.memref_slice %arg24[%dma_wait3A_294, %dma_wait3A_295] : memref<8x16xi32, #tpu.memory_space<vmem>> -> memref<1x16xi32, #tpu.memory_space<vmem>>
      %dma_wait3A_297 = tpu.memref_squeeze %dma_wait3A_296 : memref<1x16xi32, #tpu.memory_space<vmem>> -> memref<16xi32, #tpu.memory_space<vmem>>
      %dma_wait3A_298 = arith.constant 0 : i32
      %dma_wait3A_299 = tpu.memref_slice %arg34[%add3A_186, %dma_wait3A_298] : memref<96x16xi32, #tpu.memory_space<vmem_shared>> -> memref<1x16xi32, #tpu.memory_space<vmem_shared>>
      %dma_wait3A_300 = tpu.memref_squeeze %dma_wait3A_299 : memref<1x16xi32, #tpu.memory_space<vmem_shared>> -> memref<16xi32, #tpu.memory_space<vmem_shared>>
      %dma_wait3A_301 = arith.constant 0 : i32
      %dma_wait3A_302 = tpu.memref_slice %arg24[%dma_wait3A_294, %dma_wait3A_301] : memref<8x16xi32, #tpu.memory_space<vmem>> -> memref<1x16xi32, #tpu.memory_space<vmem>>
      %dma_wait3A_303 = tpu.memref_squeeze %dma_wait3A_302 : memref<1x16xi32, #tpu.memory_space<vmem>> -> memref<16xi32, #tpu.memory_space<vmem>>
      %dma_wait3A_304 = arith.constant 0 : i32
      %dma_wait3A_305 = tpu.memref_slice %arg34[%add3A_186, %dma_wait3A_304] : memref<96x16xi32, #tpu.memory_space<vmem_shared>> -> memref<1x16xi32, #tpu.memory_space<vmem_shared>>
      %dma_wait3A_306 = tpu.memref_squeeze %dma_wait3A_305 : memref<1x16xi32, #tpu.memory_space<vmem_shared>> -> memref<16xi32, #tpu.memory_space<vmem_shared>>
      tpu.wait_dma2 semaphore(%arg25 : memref<!tpu.dma_semaphore, #tpu.memory_space<semaphore_mem>>) src(%dma_wait3A_306 : memref<16xi32, #tpu.memory_space<vmem_shared>>) dst(%dma_wait3A_303 : memref<16xi32, #tpu.memory_space<vmem>>)
      %dma_wait3A_307 = arith.constant 6 : i32
      %dma_wait3A_308 = arith.constant 0 : i32
      %dma_wait3A_309 = tpu.memref_slice %arg24[%dma_wait3A_307, %dma_wait3A_308] : memref<8x16xi32, #tpu.memory_space<vmem>> -> memref<1x16xi32, #tpu.memory_space<vmem>>
      %dma_wait3A_310 = tpu.memref_squeeze %dma_wait3A_309 : memref<1x16xi32, #tpu.memory_space<vmem>> -> memref<16xi32, #tpu.memory_space<vmem>>
      %dma_wait3A_311 = arith.constant 0 : i32
      %dma_wait3A_312 = tpu.memref_slice %arg34[%add3A_201, %dma_wait3A_311] : memref<96x16xi32, #tpu.memory_space<vmem_shared>> -> memref<1x16xi32, #tpu.memory_space<vmem_shared>>
      %dma_wait3A_313 = tpu.memref_squeeze %dma_wait3A_312 : memref<1x16xi32, #tpu.memory_space<vmem_shared>> -> memref<16xi32, #tpu.memory_space<vmem_shared>>
      %dma_wait3A_314 = arith.constant 0 : i32
      %dma_wait3A_315 = tpu.memref_slice %arg24[%dma_wait3A_307, %dma_wait3A_314] : memref<8x16xi32, #tpu.memory_space<vmem>> -> memref<1x16xi32, #tpu.memory_space<vmem>>
      %dma_wait3A_316 = tpu.memref_squeeze %dma_wait3A_315 : memref<1x16xi32, #tpu.memory_space<vmem>> -> memref<16xi32, #tpu.memory_space<vmem>>
      %dma_wait3A_317 = arith.constant 0 : i32
      %dma_wait3A_318 = tpu.memref_slice %arg34[%add3A_201, %dma_wait3A_317] : memref<96x16xi32, #tpu.memory_space<vmem_shared>> -> memref<1x16xi32, #tpu.memory_space<vmem_shared>>
      %dma_wait3A_319 = tpu.memref_squeeze %dma_wait3A_318 : memref<1x16xi32, #tpu.memory_space<vmem_shared>> -> memref<16xi32, #tpu.memory_space<vmem_shared>>
      tpu.wait_dma2 semaphore(%arg25 : memref<!tpu.dma_semaphore, #tpu.memory_space<semaphore_mem>>) src(%dma_wait3A_319 : memref<16xi32, #tpu.memory_space<vmem_shared>>) dst(%dma_wait3A_316 : memref<16xi32, #tpu.memory_space<vmem>>)
      %dma_wait3A_320 = arith.constant 7 : i32
      %dma_wait3A_321 = arith.constant 0 : i32
      %dma_wait3A_322 = tpu.memref_slice %arg24[%dma_wait3A_320, %dma_wait3A_321] : memref<8x16xi32, #tpu.memory_space<vmem>> -> memref<1x16xi32, #tpu.memory_space<vmem>>
      %dma_wait3A_323 = tpu.memref_squeeze %dma_wait3A_322 : memref<1x16xi32, #tpu.memory_space<vmem>> -> memref<16xi32, #tpu.memory_space<vmem>>
      %dma_wait3A_324 = arith.constant 0 : i32
      %dma_wait3A_325 = tpu.memref_slice %arg34[%add3A_216, %dma_wait3A_324] : memref<96x16xi32, #tpu.memory_space<vmem_shared>> -> memref<1x16xi32, #tpu.memory_space<vmem_shared>>
      %dma_wait3A_326 = tpu.memref_squeeze %dma_wait3A_325 : memref<1x16xi32, #tpu.memory_space<vmem_shared>> -> memref<16xi32, #tpu.memory_space<vmem_shared>>
      %dma_wait3A_327 = arith.constant 0 : i32
      %dma_wait3A_328 = tpu.memref_slice %arg24[%dma_wait3A_320, %dma_wait3A_327] : memref<8x16xi32, #tpu.memory_space<vmem>> -> memref<1x16xi32, #tpu.memory_space<vmem>>
      %dma_wait3A_329 = tpu.memref_squeeze %dma_wait3A_328 : memref<1x16xi32, #tpu.memory_space<vmem>> -> memref<16xi32, #tpu.memory_space<vmem>>
      %dma_wait3A_330 = arith.constant 0 : i32
      %dma_wait3A_331 = tpu.memref_slice %arg34[%add3A_216, %dma_wait3A_330] : memref<96x16xi32, #tpu.memory_space<vmem_shared>> -> memref<1x16xi32, #tpu.memory_space<vmem_shared>>
      %dma_wait3A_332 = tpu.memref_squeeze %dma_wait3A_331 : memref<1x16xi32, #tpu.memory_space<vmem_shared>> -> memref<16xi32, #tpu.memory_space<vmem_shared>>
      tpu.wait_dma2 semaphore(%arg25 : memref<!tpu.dma_semaphore, #tpu.memory_space<semaphore_mem>>) src(%dma_wait3A_332 : memref<16xi32, #tpu.memory_space<vmem_shared>>) dst(%dma_wait3A_329 : memref<16xi32, #tpu.memory_space<vmem>>)
      %get3A = arith.constant 0 : i32
      %get3A_333 = arith.index_cast %get3A : i32 to index
      %get3A_334 = arith.constant 0 : index
      %get3A_335 = tpu.vector_load %arg24[%get3A_333, %get3A_334] {strides = array<i32>} : memref<8x16xi32, #tpu.memory_space<vmem>>, vector<16xi32>,
      %bitcast3A_336 = vector.bitcast %get3A_335 : vector<16xi32> to vector<16xf32>
      %slice3A = vector.extract_strided_slice %bitcast3A_336 {offsets = [0], sizes = [1], strides = [1]} : vector<16xf32> to vector<1xf32>
      %squeeze3A = vector.extract %slice3A[0] : f32 from vector<1xf32>
      %slice3A_337 = vector.extract_strided_slice %get3A_335 {offsets = [1], sizes = [1], strides = [1]} : vector<16xi32> to vector<1xi32>
      %squeeze3A_338 = vector.extract %slice3A_337[0] : i32 from vector<1xi32>
      %slice3A_339 = vector.extract_strided_slice %bitcast3A_336 {offsets = [2], sizes = [1], strides = [1]} : vector<16xf32> to vector<1xf32>
      %squeeze3A_340 = vector.extract %slice3A_339[0] : f32 from vector<1xf32>
      %slice3A_341 = vector.extract_strided_slice %bitcast3A_336 {offsets = [3], sizes = [1], strides = [1]} : vector<16xf32> to vector<1xf32>
      %squeeze3A_342 = vector.extract %slice3A_341[0] : f32 from vector<1xf32>
      %slice3A_343 = vector.extract_strided_slice %bitcast3A_336 {offsets = [4], sizes = [1], strides = [1]} : vector<16xf32> to vector<1xf32>
      %squeeze3A_344 = vector.extract %slice3A_343[0] : f32 from vector<1xf32>
      %slice3A_345 = vector.extract_strided_slice %bitcast3A_336 {offsets = [5], sizes = [1], strides = [1]} : vector<16xf32> to vector<1xf32>
      %squeeze3A_346 = vector.extract %slice3A_345[0] : f32 from vector<1xf32>
      %slice3A_347 = vector.extract_strided_slice %get3A_335 {offsets = [6], sizes = [1], strides = [1]} : vector<16xi32> to vector<1xi32>
      %squeeze3A_348 = vector.extract %slice3A_347[0] : i32 from vector<1xi32>
      %get3A_349 = arith.constant 1 : i32
      %get3A_350 = arith.index_cast %get3A_349 : i32 to index
      %get3A_351 = arith.constant 0 : index
      %get3A_352 = tpu.vector_load %arg24[%get3A_350, %get3A_351] {strides = array<i32>} : memref<8x16xi32, #tpu.memory_space<vmem>>, vector<16xi32>,
      %bitcast3A_353 = vector.bitcast %get3A_352 : vector<16xi32> to vector<16xf32>
      %slice3A_354 = vector.extract_strided_slice %bitcast3A_353 {offsets = [0], sizes = [1], strides = [1]} : vector<16xf32> to vector<1xf32>
      %squeeze3A_355 = vector.extract %slice3A_354[0] : f32 from vector<1xf32>
      %slice3A_356 = vector.extract_strided_slice %get3A_352 {offsets = [1], sizes = [1], strides = [1]} : vector<16xi32> to vector<1xi32>
      %squeeze3A_357 = vector.extract %slice3A_356[0] : i32 from vector<1xi32>
      %gt3A = arith.cmpf ogt, %squeeze3A_355, %squeeze3A : f32
      %eq3A_358 = arith.cmpf oeq, %squeeze3A_355, %squeeze3A : f32
      %lt3A = arith.cmpi slt, %squeeze3A_357, %squeeze3A_338 : i32
      %and3A_359 = arith.andi %eq3A_358, %lt3A : i1
      %or3A = arith.ori %gt3A, %and3A_359 : i1
      %select_n3A_360 = arith.select %or3A, %squeeze3A_355, %squeeze3A : f32
      %select_n3A_361 = arith.select %or3A, %squeeze3A_357, %squeeze3A_338 : i32
      %slice3A_362 = vector.extract_strided_slice %bitcast3A_353 {offsets = [2], sizes = [1], strides = [1]} : vector<16xf32> to vector<1xf32>
      %squeeze3A_363 = vector.extract %slice3A_362[0] : f32 from vector<1xf32>
      %select_n3A_364 = arith.select %or3A, %squeeze3A_363, %squeeze3A_340 : f32
      %slice3A_365 = vector.extract_strided_slice %bitcast3A_353 {offsets = [3], sizes = [1], strides = [1]} : vector<16xf32> to vector<1xf32>
      %squeeze3A_366 = vector.extract %slice3A_365[0] : f32 from vector<1xf32>
      %select_n3A_367 = arith.select %or3A, %squeeze3A_366, %squeeze3A_342 : f32
      %slice3A_368 = vector.extract_strided_slice %bitcast3A_353 {offsets = [4], sizes = [1], strides = [1]} : vector<16xf32> to vector<1xf32>
      %squeeze3A_369 = vector.extract %slice3A_368[0] : f32 from vector<1xf32>
      %select_n3A_370 = arith.select %or3A, %squeeze3A_369, %squeeze3A_344 : f32
      %slice3A_371 = vector.extract_strided_slice %bitcast3A_353 {offsets = [5], sizes = [1], strides = [1]} : vector<16xf32> to vector<1xf32>
      %squeeze3A_372 = vector.extract %slice3A_371[0] : f32 from vector<1xf32>
      %select_n3A_373 = arith.select %or3A, %squeeze3A_372, %squeeze3A_346 : f32
      %slice3A_374 = vector.extract_strided_slice %get3A_352 {offsets = [6], sizes = [1], strides = [1]} : vector<16xi32> to vector<1xi32>
      %squeeze3A_375 = vector.extract %slice3A_374[0] : i32 from vector<1xi32>
      %select_n3A_376 = arith.select %or3A, %squeeze3A_375, %squeeze3A_348 : i32
      %get3A_377 = arith.constant 2 : i32
      %get3A_378 = arith.index_cast %get3A_377 : i32 to index
      %get3A_379 = arith.constant 0 : index
      %get3A_380 = tpu.vector_load %arg24[%get3A_378, %get3A_379] {strides = array<i32>} : memref<8x16xi32, #tpu.memory_space<vmem>>, vector<16xi32>,
      %bitcast3A_381 = vector.bitcast %get3A_380 : vector<16xi32> to vector<16xf32>
      %slice3A_382 = vector.extract_strided_slice %bitcast3A_381 {offsets = [0], sizes = [1], strides = [1]} : vector<16xf32> to vector<1xf32>
      %squeeze3A_383 = vector.extract %slice3A_382[0] : f32 from vector<1xf32>
      %slice3A_384 = vector.extract_strided_slice %get3A_380 {offsets = [1], sizes = [1], strides = [1]} : vector<16xi32> to vector<1xi32>
      %squeeze3A_385 = vector.extract %slice3A_384[0] : i32 from vector<1xi32>
      %gt3A_386 = arith.cmpf ogt, %squeeze3A_383, %select_n3A_360 : f32
      %eq3A_387 = arith.cmpf oeq, %squeeze3A_383, %select_n3A_360 : f32
      %lt3A_388 = arith.cmpi slt, %squeeze3A_385, %select_n3A_361 : i32
      %and3A_389 = arith.andi %eq3A_387, %lt3A_388 : i1
      %or3A_390 = arith.ori %gt3A_386, %and3A_389 : i1
      %select_n3A_391 = arith.select %or3A_390, %squeeze3A_383, %select_n3A_360 : f32
      %select_n3A_392 = arith.select %or3A_390, %squeeze3A_385, %select_n3A_361 : i32
      %slice3A_393 = vector.extract_strided_slice %bitcast3A_381 {offsets = [2], sizes = [1], strides = [1]} : vector<16xf32> to vector<1xf32>
      %squeeze3A_394 = vector.extract %slice3A_393[0] : f32 from vector<1xf32>
      %select_n3A_395 = arith.select %or3A_390, %squeeze3A_394, %select_n3A_364 : f32
      %slice3A_396 = vector.extract_strided_slice %bitcast3A_381 {offsets = [3], sizes = [1], strides = [1]} : vector<16xf32> to vector<1xf32>
      %squeeze3A_397 = vector.extract %slice3A_396[0] : f32 from vector<1xf32>
      %select_n3A_398 = arith.select %or3A_390, %squeeze3A_397, %select_n3A_367 : f32
      %slice3A_399 = vector.extract_strided_slice %bitcast3A_381 {offsets = [4], sizes = [1], strides = [1]} : vector<16xf32> to vector<1xf32>
      %squeeze3A_400 = vector.extract %slice3A_399[0] : f32 from vector<1xf32>
      %select_n3A_401 = arith.select %or3A_390, %squeeze3A_400, %select_n3A_370 : f32
      %slice3A_402 = vector.extract_strided_slice %bitcast3A_381 {offsets = [5], sizes = [1], strides = [1]} : vector<16xf32> to vector<1xf32>
      %squeeze3A_403 = vector.extract %slice3A_402[0] : f32 from vector<1xf32>
      %select_n3A_404 = arith.select %or3A_390, %squeeze3A_403, %select_n3A_373 : f32
      %slice3A_405 = vector.extract_strided_slice %get3A_380 {offsets = [6], sizes = [1], strides = [1]} : vector<16xi32> to vector<1xi32>
      %squeeze3A_406 = vector.extract %slice3A_405[0] : i32 from vector<1xi32>
      %select_n3A_407 = arith.select %or3A_390, %squeeze3A_406, %select_n3A_376 : i32
      %get3A_408 = arith.constant 3 : i32
      %get3A_409 = arith.index_cast %get3A_408 : i32 to index
      %get3A_410 = arith.constant 0 : index
      %get3A_411 = tpu.vector_load %arg24[%get3A_409, %get3A_410] {strides = array<i32>} : memref<8x16xi32, #tpu.memory_space<vmem>>, vector<16xi32>,
      %bitcast3A_412 = vector.bitcast %get3A_411 : vector<16xi32> to vector<16xf32>
      %slice3A_413 = vector.extract_strided_slice %bitcast3A_412 {offsets = [0], sizes = [1], strides = [1]} : vector<16xf32> to vector<1xf32>
      %squeeze3A_414 = vector.extract %slice3A_413[0] : f32 from vector<1xf32>
      %slice3A_415 = vector.extract_strided_slice %get3A_411 {offsets = [1], sizes = [1], strides = [1]} : vector<16xi32> to vector<1xi32>
      %squeeze3A_416 = vector.extract %slice3A_415[0] : i32 from vector<1xi32>
      %gt3A_417 = arith.cmpf ogt, %squeeze3A_414, %select_n3A_391 : f32
      %eq3A_418 = arith.cmpf oeq, %squeeze3A_414, %select_n3A_391 : f32
      %lt3A_419 = arith.cmpi slt, %squeeze3A_416, %select_n3A_392 : i32
      %and3A_420 = arith.andi %eq3A_418, %lt3A_419 : i1
      %or3A_421 = arith.ori %gt3A_417, %and3A_420 : i1
      %select_n3A_422 = arith.select %or3A_421, %squeeze3A_414, %select_n3A_391 : f32
      %select_n3A_423 = arith.select %or3A_421, %squeeze3A_416, %select_n3A_392 : i32
      %slice3A_424 = vector.extract_strided_slice %bitcast3A_412 {offsets = [2], sizes = [1], strides = [1]} : vector<16xf32> to vector<1xf32>
      %squeeze3A_425 = vector.extract %slice3A_424[0] : f32 from vector<1xf32>
      %select_n3A_426 = arith.select %or3A_421, %squeeze3A_425, %select_n3A_395 : f32
      %slice3A_427 = vector.extract_strided_slice %bitcast3A_412 {offsets = [3], sizes = [1], strides = [1]} : vector<16xf32> to vector<1xf32>
      %squeeze3A_428 = vector.extract %slice3A_427[0] : f32 from vector<1xf32>
      %select_n3A_429 = arith.select %or3A_421, %squeeze3A_428, %select_n3A_398 : f32
      %slice3A_430 = vector.extract_strided_slice %bitcast3A_412 {offsets = [4], sizes = [1], strides = [1]} : vector<16xf32> to vector<1xf32>
      %squeeze3A_431 = vector.extract %slice3A_430[0] : f32 from vector<1xf32>
      %select_n3A_432 = arith.select %or3A_421, %squeeze3A_431, %select_n3A_401 : f32
      %slice3A_433 = vector.extract_strided_slice %bitcast3A_412 {offsets = [5], sizes = [1], strides = [1]} : vector<16xf32> to vector<1xf32>
      %squeeze3A_434 = vector.extract %slice3A_433[0] : f32 from vector<1xf32>
      %select_n3A_435 = arith.select %or3A_421, %squeeze3A_434, %select_n3A_404 : f32
      %slice3A_436 = vector.extract_strided_slice %get3A_411 {offsets = [6], sizes = [1], strides = [1]} : vector<16xi32> to vector<1xi32>
      %squeeze3A_437 = vector.extract %slice3A_436[0] : i32 from vector<1xi32>
      %select_n3A_438 = arith.select %or3A_421, %squeeze3A_437, %select_n3A_407 : i32
      %get3A_439 = arith.constant 4 : i32
      %get3A_440 = arith.index_cast %get3A_439 : i32 to index
      %get3A_441 = arith.constant 0 : index
      %get3A_442 = tpu.vector_load %arg24[%get3A_440, %get3A_441] {strides = array<i32>} : memref<8x16xi32, #tpu.memory_space<vmem>>, vector<16xi32>,
      %bitcast3A_443 = vector.bitcast %get3A_442 : vector<16xi32> to vector<16xf32>
      %slice3A_444 = vector.extract_strided_slice %bitcast3A_443 {offsets = [0], sizes = [1], strides = [1]} : vector<16xf32> to vector<1xf32>
      %squeeze3A_445 = vector.extract %slice3A_444[0] : f32 from vector<1xf32>
      %slice3A_446 = vector.extract_strided_slice %get3A_442 {offsets = [1], sizes = [1], strides = [1]} : vector<16xi32> to vector<1xi32>
      %squeeze3A_447 = vector.extract %slice3A_446[0] : i32 from vector<1xi32>
      %gt3A_448 = arith.cmpf ogt, %squeeze3A_445, %select_n3A_422 : f32
      %eq3A_449 = arith.cmpf oeq, %squeeze3A_445, %select_n3A_422 : f32
      %lt3A_450 = arith.cmpi slt, %squeeze3A_447, %select_n3A_423 : i32
      %and3A_451 = arith.andi %eq3A_449, %lt3A_450 : i1
      %or3A_452 = arith.ori %gt3A_448, %and3A_451 : i1
      %select_n3A_453 = arith.select %or3A_452, %squeeze3A_445, %select_n3A_422 : f32
      %select_n3A_454 = arith.select %or3A_452, %squeeze3A_447, %select_n3A_423 : i32
      %slice3A_455 = vector.extract_strided_slice %bitcast3A_443 {offsets = [2], sizes = [1], strides = [1]} : vector<16xf32> to vector<1xf32>
      %squeeze3A_456 = vector.extract %slice3A_455[0] : f32 from vector<1xf32>
      %select_n3A_457 = arith.select %or3A_452, %squeeze3A_456, %select_n3A_426 : f32
      %slice3A_458 = vector.extract_strided_slice %bitcast3A_443 {offsets = [3], sizes = [1], strides = [1]} : vector<16xf32> to vector<1xf32>
      %squeeze3A_459 = vector.extract %slice3A_458[0] : f32 from vector<1xf32>
      %select_n3A_460 = arith.select %or3A_452, %squeeze3A_459, %select_n3A_429 : f32
      %slice3A_461 = vector.extract_strided_slice %bitcast3A_443 {offsets = [4], sizes = [1], strides = [1]} : vector<16xf32> to vector<1xf32>
      %squeeze3A_462 = vector.extract %slice3A_461[0] : f32 from vector<1xf32>
      %select_n3A_463 = arith.select %or3A_452, %squeeze3A_462, %select_n3A_432 : f32
      %slice3A_464 = vector.extract_strided_slice %bitcast3A_443 {offsets = [5], sizes = [1], strides = [1]} : vector<16xf32> to vector<1xf32>
      %squeeze3A_465 = vector.extract %slice3A_464[0] : f32 from vector<1xf32>
      %select_n3A_466 = arith.select %or3A_452, %squeeze3A_465, %select_n3A_435 : f32
      %slice3A_467 = vector.extract_strided_slice %get3A_442 {offsets = [6], sizes = [1], strides = [1]} : vector<16xi32> to vector<1xi32>
      %squeeze3A_468 = vector.extract %slice3A_467[0] : i32 from vector<1xi32>
      %select_n3A_469 = arith.select %or3A_452, %squeeze3A_468, %select_n3A_438 : i32
      %get3A_470 = arith.constant 5 : i32
      %get3A_471 = arith.index_cast %get3A_470 : i32 to index
      %get3A_472 = arith.constant 0 : index
      %get3A_473 = tpu.vector_load %arg24[%get3A_471, %get3A_472] {strides = array<i32>} : memref<8x16xi32, #tpu.memory_space<vmem>>, vector<16xi32>,
      %bitcast3A_474 = vector.bitcast %get3A_473 : vector<16xi32> to vector<16xf32>
      %slice3A_475 = vector.extract_strided_slice %bitcast3A_474 {offsets = [0], sizes = [1], strides = [1]} : vector<16xf32> to vector<1xf32>
      %squeeze3A_476 = vector.extract %slice3A_475[0] : f32 from vector<1xf32>
      %slice3A_477 = vector.extract_strided_slice %get3A_473 {offsets = [1], sizes = [1], strides = [1]} : vector<16xi32> to vector<1xi32>
      %squeeze3A_478 = vector.extract %slice3A_477[0] : i32 from vector<1xi32>
      %gt3A_479 = arith.cmpf ogt, %squeeze3A_476, %select_n3A_453 : f32
      %eq3A_480 = arith.cmpf oeq, %squeeze3A_476, %select_n3A_453 : f32
      %lt3A_481 = arith.cmpi slt, %squeeze3A_478, %select_n3A_454 : i32
      %and3A_482 = arith.andi %eq3A_480, %lt3A_481 : i1
      %or3A_483 = arith.ori %gt3A_479, %and3A_482 : i1
      %select_n3A_484 = arith.select %or3A_483, %squeeze3A_476, %select_n3A_453 : f32
      %select_n3A_485 = arith.select %or3A_483, %squeeze3A_478, %select_n3A_454 : i32
      %slice3A_486 = vector.extract_strided_slice %bitcast3A_474 {offsets = [2], sizes = [1], strides = [1]} : vector<16xf32> to vector<1xf32>
      %squeeze3A_487 = vector.extract %slice3A_486[0] : f32 from vector<1xf32>
      %select_n3A_488 = arith.select %or3A_483, %squeeze3A_487, %select_n3A_457 : f32
      %slice3A_489 = vector.extract_strided_slice %bitcast3A_474 {offsets = [3], sizes = [1], strides = [1]} : vector<16xf32> to vector<1xf32>
      %squeeze3A_490 = vector.extract %slice3A_489[0] : f32 from vector<1xf32>
      %select_n3A_491 = arith.select %or3A_483, %squeeze3A_490, %select_n3A_460 : f32
      %slice3A_492 = vector.extract_strided_slice %bitcast3A_474 {offsets = [4], sizes = [1], strides = [1]} : vector<16xf32> to vector<1xf32>
      %squeeze3A_493 = vector.extract %slice3A_492[0] : f32 from vector<1xf32>
      %select_n3A_494 = arith.select %or3A_483, %squeeze3A_493, %select_n3A_463 : f32
      %slice3A_495 = vector.extract_strided_slice %bitcast3A_474 {offsets = [5], sizes = [1], strides = [1]} : vector<16xf32> to vector<1xf32>
      %squeeze3A_496 = vector.extract %slice3A_495[0] : f32 from vector<1xf32>
      %select_n3A_497 = arith.select %or3A_483, %squeeze3A_496, %select_n3A_466 : f32
      %slice3A_498 = vector.extract_strided_slice %get3A_473 {offsets = [6], sizes = [1], strides = [1]} : vector<16xi32> to vector<1xi32>
      %squeeze3A_499 = vector.extract %slice3A_498[0] : i32 from vector<1xi32>
      %select_n3A_500 = arith.select %or3A_483, %squeeze3A_499, %select_n3A_469 : i32
      %get3A_501 = arith.constant 6 : i32
      %get3A_502 = arith.index_cast %get3A_501 : i32 to index
      %get3A_503 = arith.constant 0 : index
      %get3A_504 = tpu.vector_load %arg24[%get3A_502, %get3A_503] {strides = array<i32>} : memref<8x16xi32, #tpu.memory_space<vmem>>, vector<16xi32>,
      %bitcast3A_505 = vector.bitcast %get3A_504 : vector<16xi32> to vector<16xf32>
      %slice3A_506 = vector.extract_strided_slice %bitcast3A_505 {offsets = [0], sizes = [1], strides = [1]} : vector<16xf32> to vector<1xf32>
      %squeeze3A_507 = vector.extract %slice3A_506[0] : f32 from vector<1xf32>
      %slice3A_508 = vector.extract_strided_slice %get3A_504 {offsets = [1], sizes = [1], strides = [1]} : vector<16xi32> to vector<1xi32>
      %squeeze3A_509 = vector.extract %slice3A_508[0] : i32 from vector<1xi32>
      %gt3A_510 = arith.cmpf ogt, %squeeze3A_507, %select_n3A_484 : f32
      %eq3A_511 = arith.cmpf oeq, %squeeze3A_507, %select_n3A_484 : f32
      %lt3A_512 = arith.cmpi slt, %squeeze3A_509, %select_n3A_485 : i32
      %and3A_513 = arith.andi %eq3A_511, %lt3A_512 : i1
      %or3A_514 = arith.ori %gt3A_510, %and3A_513 : i1
      %select_n3A_515 = arith.select %or3A_514, %squeeze3A_507, %select_n3A_484 : f32
      %select_n3A_516 = arith.select %or3A_514, %squeeze3A_509, %select_n3A_485 : i32
      %slice3A_517 = vector.extract_strided_slice %bitcast3A_505 {offsets = [2], sizes = [1], strides = [1]} : vector<16xf32> to vector<1xf32>
      %squeeze3A_518 = vector.extract %slice3A_517[0] : f32 from vector<1xf32>
      %select_n3A_519 = arith.select %or3A_514, %squeeze3A_518, %select_n3A_488 : f32
      %slice3A_520 = vector.extract_strided_slice %bitcast3A_505 {offsets = [3], sizes = [1], strides = [1]} : vector<16xf32> to vector<1xf32>
      %squeeze3A_521 = vector.extract %slice3A_520[0] : f32 from vector<1xf32>
      %select_n3A_522 = arith.select %or3A_514, %squeeze3A_521, %select_n3A_491 : f32
      %slice3A_523 = vector.extract_strided_slice %bitcast3A_505 {offsets = [4], sizes = [1], strides = [1]} : vector<16xf32> to vector<1xf32>
      %squeeze3A_524 = vector.extract %slice3A_523[0] : f32 from vector<1xf32>
      %select_n3A_525 = arith.select %or3A_514, %squeeze3A_524, %select_n3A_494 : f32
      %slice3A_526 = vector.extract_strided_slice %bitcast3A_505 {offsets = [5], sizes = [1], strides = [1]} : vector<16xf32> to vector<1xf32>
      %squeeze3A_527 = vector.extract %slice3A_526[0] : f32 from vector<1xf32>
      %select_n3A_528 = arith.select %or3A_514, %squeeze3A_527, %select_n3A_497 : f32
      %slice3A_529 = vector.extract_strided_slice %get3A_504 {offsets = [6], sizes = [1], strides = [1]} : vector<16xi32> to vector<1xi32>
      %squeeze3A_530 = vector.extract %slice3A_529[0] : i32 from vector<1xi32>
      %select_n3A_531 = arith.select %or3A_514, %squeeze3A_530, %select_n3A_500 : i32
      %get3A_532 = arith.constant 7 : i32
      %get3A_533 = arith.index_cast %get3A_532 : i32 to index
      %get3A_534 = arith.constant 0 : index
      %get3A_535 = tpu.vector_load %arg24[%get3A_533, %get3A_534] {strides = array<i32>} : memref<8x16xi32, #tpu.memory_space<vmem>>, vector<16xi32>,
      %bitcast3A_536 = vector.bitcast %get3A_535 : vector<16xi32> to vector<16xf32>
      %slice3A_537 = vector.extract_strided_slice %bitcast3A_536 {offsets = [0], sizes = [1], strides = [1]} : vector<16xf32> to vector<1xf32>
      %squeeze3A_538 = vector.extract %slice3A_537[0] : f32 from vector<1xf32>
      %slice3A_539 = vector.extract_strided_slice %get3A_535 {offsets = [1], sizes = [1], strides = [1]} : vector<16xi32> to vector<1xi32>
      %squeeze3A_540 = vector.extract %slice3A_539[0] : i32 from vector<1xi32>
      %gt3A_541 = arith.cmpf ogt, %squeeze3A_538, %select_n3A_515 : f32
      %eq3A_542 = arith.cmpf oeq, %squeeze3A_538, %select_n3A_515 : f32
      %lt3A_543 = arith.cmpi slt, %squeeze3A_540, %select_n3A_516 : i32
      %and3A_544 = arith.andi %eq3A_542, %lt3A_543 : i1
      %or3A_545 = arith.ori %gt3A_541, %and3A_544 : i1
      %select_n3A_546 = arith.select %or3A_545, %squeeze3A_538, %select_n3A_515 : f32
      %select_n3A_547 = arith.select %or3A_545, %squeeze3A_540, %select_n3A_516 : i32
      %slice3A_548 = vector.extract_strided_slice %bitcast3A_536 {offsets = [2], sizes = [1], strides = [1]} : vector<16xf32> to vector<1xf32>
      %squeeze3A_549 = vector.extract %slice3A_548[0] : f32 from vector<1xf32>
      %select_n3A_550 = arith.select %or3A_545, %squeeze3A_549, %select_n3A_519 : f32
      %slice3A_551 = vector.extract_strided_slice %bitcast3A_536 {offsets = [3], sizes = [1], strides = [1]} : vector<16xf32> to vector<1xf32>
      %squeeze3A_552 = vector.extract %slice3A_551[0] : f32 from vector<1xf32>
      %select_n3A_553 = arith.select %or3A_545, %squeeze3A_552, %select_n3A_522 : f32
      %slice3A_554 = vector.extract_strided_slice %bitcast3A_536 {offsets = [4], sizes = [1], strides = [1]} : vector<16xf32> to vector<1xf32>
      %squeeze3A_555 = vector.extract %slice3A_554[0] : f32 from vector<1xf32>
      %select_n3A_556 = arith.select %or3A_545, %squeeze3A_555, %select_n3A_525 : f32
      %slice3A_557 = vector.extract_strided_slice %bitcast3A_536 {offsets = [5], sizes = [1], strides = [1]} : vector<16xf32> to vector<1xf32>
      %squeeze3A_558 = vector.extract %slice3A_557[0] : f32 from vector<1xf32>
      %select_n3A_559 = arith.select %or3A_545, %squeeze3A_558, %select_n3A_528 : f32
      %slice3A_560 = vector.extract_strided_slice %get3A_535 {offsets = [6], sizes = [1], strides = [1]} : vector<16xi32> to vector<1xi32>
      %squeeze3A_561 = vector.extract %slice3A_560[0] : i32 from vector<1xi32>
      %select_n3A_562 = arith.select %or3A_545, %squeeze3A_561, %select_n3A_531 : i32
      %barrier3A_563 = arith.constant 0 : index
      tpu.barrier barrier_id(%barrier3A_563)
      %gt3A_564 = arith.constant -5.000000e+29 : f32
      %gt3A_565 = arith.cmpf ogt, %select_n3A_546, %gt3A_564 : f32
      %eq3A_566 = arith.constant 0 : i32
      %eq3A_567 = arith.cmpi eq, %sub3A_17, %eq3A_566 : i32
      %convert_element_type3A_568 = arith.extui %eq3A_567 : i1 to i32
      %cond3A_569 = arith.constant 0 : i32
      %cond3A_570 = arith.cmpi ne, %convert_element_type3A_568, %cond3A_569 : i32
      scf.if %cond3A_570 {
        %broadcast_in_dim3A_578 = vector.broadcast %scan3A_100 : i32 to vector<16xi32>
        %eq3A_579 = arith.constant 0 : i32
        %eq3A_580 = vector.broadcast %eq3A_579 : i32 to vector<16xi32>
        %eq3A_581 = arith.cmpi eq, %iota3A, %eq3A_580 : vector<16xi32>
        %jit3A_582 = arith.constant -1 : i32
        %select_n3A_583 = arith.select %gt3A_565, %select_n3A_547, %jit3A_582 : i32
        %broadcast_in_dim3A_584 = vector.broadcast %select_n3A_583 : i32 to vector<16xi32>
        tpu.vector_store_idx %arg26[%broadcast_in_dim3A_578], %broadcast_in_dim3A_584 masked %eq3A_581 : memref<128xi32, #tpu.memory_space<vmem>>[vector<16xi32>], vector<16xi32>, vector<16xi1>
        %jit3A_585 = arith.constant 0.000000e+00 : f32
        %select_n3A_586 = arith.select %gt3A_565, %select_n3A_546, %jit3A_585 : f32
        %broadcast_in_dim3A_587 = vector.broadcast %select_n3A_586 : f32 to vector<16xf32>
        tpu.vector_store_idx %arg27[%broadcast_in_dim3A_578], %broadcast_in_dim3A_587 masked %eq3A_581 : memref<128xf32, #tpu.memory_space<vmem>>[vector<16xi32>], vector<16xf32>, vector<16xi1>
        %jit3A_588 = arith.constant 0.000000e+00 : f32
        %select_n3A_589 = arith.select %gt3A_565, %select_n3A_550, %jit3A_588 : f32
        %broadcast_in_dim3A_590 = vector.broadcast %select_n3A_589 : f32 to vector<16xf32>
        tpu.vector_store_idx %arg28[%broadcast_in_dim3A_578], %broadcast_in_dim3A_590 masked %eq3A_581 : memref<128xf32, #tpu.memory_space<vmem>>[vector<16xi32>], vector<16xf32>, vector<16xi1>
        %jit3A_591 = arith.constant 0.000000e+00 : f32
        %select_n3A_592 = arith.select %gt3A_565, %select_n3A_553, %jit3A_591 : f32
        %broadcast_in_dim3A_593 = vector.broadcast %select_n3A_592 : f32 to vector<16xf32>
        tpu.vector_store_idx %arg29[%broadcast_in_dim3A_578], %broadcast_in_dim3A_593 masked %eq3A_581 : memref<128xf32, #tpu.memory_space<vmem>>[vector<16xi32>], vector<16xf32>, vector<16xi1>
        %jit3A_594 = arith.constant 0.000000e+00 : f32
        %select_n3A_595 = arith.select %gt3A_565, %select_n3A_556, %jit3A_594 : f32
        %broadcast_in_dim3A_596 = vector.broadcast %select_n3A_595 : f32 to vector<16xf32>
        tpu.vector_store_idx %arg30[%broadcast_in_dim3A_578], %broadcast_in_dim3A_596 masked %eq3A_581 : memref<128xf32, #tpu.memory_space<vmem>>[vector<16xi32>], vector<16xf32>, vector<16xi1>
        %jit3A_597 = arith.constant 0.000000e+00 : f32
        %select_n3A_598 = arith.select %gt3A_565, %select_n3A_559, %jit3A_597 : f32
        %broadcast_in_dim3A_599 = vector.broadcast %select_n3A_598 : f32 to vector<16xf32>
        tpu.vector_store_idx %arg31[%broadcast_in_dim3A_578], %broadcast_in_dim3A_599 masked %eq3A_581 : memref<128xf32, #tpu.memory_space<vmem>>[vector<16xi32>], vector<16xf32>, vector<16xi1>
        %jit3A_600 = arith.constant -1 : i32
        %select_n3A_601 = arith.select %gt3A_565, %select_n3A_562, %jit3A_600 : i32
        %broadcast_in_dim3A_602 = vector.broadcast %select_n3A_601 : i32 to vector<16xi32>
        tpu.vector_store_idx %arg32[%broadcast_in_dim3A_578], %broadcast_in_dim3A_602 masked %eq3A_581 : memref<128xi32, #tpu.memory_space<vmem>>[vector<16xi32>], vector<16xi32>, vector<16xi1>
      } else {
      }
      %lt3A_571 = arith.constant 99 : i32
      %lt3A_572 = arith.cmpi slt, %scan3A_100, %lt3A_571 : i32
      %convert_element_type3A_573 = arith.extui %lt3A_572 : i1 to i32
      %cond3A_574 = arith.constant 0 : i32
      %cond3A_575 = arith.cmpi ne, %convert_element_type3A_573, %cond3A_574 : i32
      scf.if %cond3A_575 {
        %sub3A_578 = arith.subf %select_n3A_556, %select_n3A_550 : f32
        %sub3A_579 = arith.subf %select_n3A_559, %select_n3A_553 : f32
        %mul3A_580 = arith.mulf %sub3A_578, %sub3A_579 : f32
        %broadcast_in_dim3A_581 = vector.broadcast %select_n3A_550 : f32 to vector<16xf32>
        %broadcast_in_dim3A_582 = vector.broadcast %select_n3A_553 : f32 to vector<16xf32>
        %broadcast_in_dim3A_583 = vector.broadcast %select_n3A_556 : f32 to vector<16xf32>
        %broadcast_in_dim3A_584 = vector.broadcast %select_n3A_559 : f32 to vector<16xf32>
        %broadcast_in_dim3A_585 = vector.broadcast %mul3A_580 : f32 to vector<16xf32>
        %broadcast_in_dim3A_586 = vector.broadcast %select_n3A_547 : i32 to vector<16xi32>
        %scan3A_587 = arith.constant 0 : i32
        %scan3A_588 = arith.constant 40 : i32
        %scan3A_589 = arith.addi %scan3A_587, %scan3A_588 : i32
        %scan3A_590 = arith.constant 1 : i32
        %scan3A_591:2 = scf.for %scan3A_668 = %scan3A_587 to %scan3A_589 step %scan3A_590 iter_args(%scan3A_669 = %broadcast_in_dim3A_22, %scan3A_670 = %broadcast_in_dim3A_24) -> (vector<16xf32>, vector<16xi32>)  : i32 {
          %mul3A_671 = arith.constant 4 : i32
          %mul3A_672 = arith.muli %scan3A_668, %mul3A_671 : i32
          %add3A_673 = arith.constant 0 : i32
          %add3A_674 = arith.addi %mul3A_672, %add3A_673 : i32
          %mul3A_675 = arith.constant 16 : i32
          %mul3A_676 = arith.muli %add3A_674, %mul3A_675 : i32
          %get3A_677 = arith.index_cast %mul3A_676 : i32 to index
          %get3A_678 = tpu.vector_load %arg16[%get3A_677] {strides = array<i32>} : memref<2560xf32, #tpu.memory_space<vmem>>, vector<16xf32>,
          %get3A_679 = arith.index_cast %mul3A_676 : i32 to index
          %get3A_680 = tpu.vector_load %arg17[%get3A_679] {strides = array<i32>} : memref<2560xf32, #tpu.memory_space<vmem>>, vector<16xf32>,
          %get3A_681 = arith.index_cast %mul3A_676 : i32 to index
          %get3A_682 = tpu.vector_load %arg18[%get3A_681] {strides = array<i32>} : memref<2560xf32, #tpu.memory_space<vmem>>, vector<16xf32>,
          %get3A_683 = arith.index_cast %mul3A_676 : i32 to index
          %get3A_684 = tpu.vector_load %arg19[%get3A_683] {strides = array<i32>} : memref<2560xf32, #tpu.memory_space<vmem>>, vector<16xf32>,
          %get3A_685 = arith.index_cast %mul3A_676 : i32 to index
          %get3A_686 = tpu.vector_load %arg20[%get3A_685] {strides = array<i32>} : memref<2560xf32, #tpu.memory_space<vmem>>, vector<16xf32>,
          %get3A_687 = arith.index_cast %mul3A_676 : i32 to index
          %get3A_688 = tpu.vector_load %arg21[%get3A_687] {strides = array<i32>} : memref<2560xf32, #tpu.memory_space<vmem>>, vector<16xf32>,
          %max3A_689 = arith.maximumf %broadcast_in_dim3A_581, %get3A_680 : vector<16xf32>
          %max3A_690 = arith.maximumf %broadcast_in_dim3A_582, %get3A_682 : vector<16xf32>
          %min3A_691 = arith.minimumf %broadcast_in_dim3A_583, %get3A_684 : vector<16xf32>
          %min3A_692 = arith.minimumf %broadcast_in_dim3A_584, %get3A_686 : vector<16xf32>
          %sub3A_693 = arith.subf %min3A_691, %max3A_689 : vector<16xf32>
          %max3A_694 = arith.constant 0.000000e+00 : f32
          %max3A_695 = vector.broadcast %max3A_694 : f32 to vector<16xf32>
          %max3A_696 = arith.maximumf %sub3A_693, %max3A_695 : vector<16xf32>
          %sub3A_697 = arith.subf %min3A_692, %max3A_690 : vector<16xf32>
          %max3A_698 = arith.constant 0.000000e+00 : f32
          %max3A_699 = vector.broadcast %max3A_698 : f32 to vector<16xf32>
          %max3A_700 = arith.maximumf %sub3A_697, %max3A_699 : vector<16xf32>
          %mul3A_701 = arith.mulf %max3A_696, %max3A_700 : vector<16xf32>
          %add3A_702 = arith.addf %broadcast_in_dim3A_585, %get3A_688 : vector<16xf32>
          %sub3A_703 = arith.subf %add3A_702, %mul3A_701 : vector<16xf32>
          %add3A_704 = arith.constant 9.99999971E-10 : f32
          %add3A_705 = vector.broadcast %add3A_704 : f32 to vector<16xf32>
          %add3A_706 = arith.addf %sub3A_703, %add3A_705 : vector<16xf32>
          %div3A_707 = arith.divf %mul3A_701, %add3A_706 : vector<16xf32>
          %add3A_708 = arith.addi %mul3A_21, %mul3A_676 : i32
          %add3A_709 = vector.broadcast %add3A_708 : i32 to vector<16xi32>
          %add3A_710 = arith.addi %add3A_709, %iota3A : vector<16xi32>
          %gt3A_711 = arith.constant 5.000000e-01 : f32
          %gt3A_712 = vector.broadcast %gt3A_711 : f32 to vector<16xf32>
          %gt3A_713 = arith.cmpf ogt, %div3A_707, %gt3A_712 : vector<16xf32>
          %eq3A_714 = arith.cmpi eq, %add3A_710, %broadcast_in_dim3A_586 : vector<16xi32>
          %or3A_715 = arith.ori %gt3A_713, %eq3A_714 : vector<16xi1>
          %select_n3A_716 = arith.select %or3A_715, %broadcast_in_dim3A_22, %get3A_678 : vector<16xi1>, vector<16xf32>
          %swap3A_717 = arith.index_cast %mul3A_676 : i32 to index
          %swap3A_718 = tpu.vector_load %arg16[%swap3A_717] {strides = array<i32>} : memref<2560xf32, #tpu.memory_space<vmem>>, vector<16xf32>,
          tpu.vector_store %arg16[%swap3A_717], %select_n3A_716 {strides = array<i32>} : memref<2560xf32, #tpu.memory_space<vmem>>, vector<16xf32>,
          %gt3A_719 = arith.cmpf ogt, %select_n3A_716, %scan3A_669 : vector<16xf32>
          %select_n3A_720 = arith.select %gt3A_719, %select_n3A_716, %scan3A_669 : vector<16xi1>, vector<16xf32>
          %select_n3A_721 = arith.select %gt3A_719, %add3A_710, %scan3A_670 : vector<16xi1>, vector<16xi32>
          %mul3A_722 = arith.constant 4 : i32
          %mul3A_723 = arith.muli %scan3A_668, %mul3A_722 : i32
          %add3A_724 = arith.constant 1 : i32
          %add3A_725 = arith.addi %mul3A_723, %add3A_724 : i32
          %mul3A_726 = arith.constant 16 : i32
          %mul3A_727 = arith.muli %add3A_725, %mul3A_726 : i32
          %get3A_728 = arith.index_cast %mul3A_727 : i32 to index
          %get3A_729 = tpu.vector_load %arg16[%get3A_728] {strides = array<i32>} : memref<2560xf32, #tpu.memory_space<vmem>>, vector<16xf32>,
          %get3A_730 = arith.index_cast %mul3A_727 : i32 to index
          %get3A_731 = tpu.vector_load %arg17[%get3A_730] {strides = array<i32>} : memref<2560xf32, #tpu.memory_space<vmem>>, vector<16xf32>,
          %get3A_732 = arith.index_cast %mul3A_727 : i32 to index
          %get3A_733 = tpu.vector_load %arg18[%get3A_732] {strides = array<i32>} : memref<2560xf32, #tpu.memory_space<vmem>>, vector<16xf32>,
          %get3A_734 = arith.index_cast %mul3A_727 : i32 to index
          %get3A_735 = tpu.vector_load %arg19[%get3A_734] {strides = array<i32>} : memref<2560xf32, #tpu.memory_space<vmem>>, vector<16xf32>,
          %get3A_736 = arith.index_cast %mul3A_727 : i32 to index
          %get3A_737 = tpu.vector_load %arg20[%get3A_736] {strides = array<i32>} : memref<2560xf32, #tpu.memory_space<vmem>>, vector<16xf32>,
          %get3A_738 = arith.index_cast %mul3A_727 : i32 to index
          %get3A_739 = tpu.vector_load %arg21[%get3A_738] {strides = array<i32>} : memref<2560xf32, #tpu.memory_space<vmem>>, vector<16xf32>,
          %max3A_740 = arith.maximumf %broadcast_in_dim3A_581, %get3A_731 : vector<16xf32>
          %max3A_741 = arith.maximumf %broadcast_in_dim3A_582, %get3A_733 : vector<16xf32>
          %min3A_742 = arith.minimumf %broadcast_in_dim3A_583, %get3A_735 : vector<16xf32>
          %min3A_743 = arith.minimumf %broadcast_in_dim3A_584, %get3A_737 : vector<16xf32>
          %sub3A_744 = arith.subf %min3A_742, %max3A_740 : vector<16xf32>
          %max3A_745 = arith.constant 0.000000e+00 : f32
          %max3A_746 = vector.broadcast %max3A_745 : f32 to vector<16xf32>
          %max3A_747 = arith.maximumf %sub3A_744, %max3A_746 : vector<16xf32>
          %sub3A_748 = arith.subf %min3A_743, %max3A_741 : vector<16xf32>
          %max3A_749 = arith.constant 0.000000e+00 : f32
          %max3A_750 = vector.broadcast %max3A_749 : f32 to vector<16xf32>
          %max3A_751 = arith.maximumf %sub3A_748, %max3A_750 : vector<16xf32>
          %mul3A_752 = arith.mulf %max3A_747, %max3A_751 : vector<16xf32>
          %add3A_753 = arith.addf %broadcast_in_dim3A_585, %get3A_739 : vector<16xf32>
          %sub3A_754 = arith.subf %add3A_753, %mul3A_752 : vector<16xf32>
          %add3A_755 = arith.constant 9.99999971E-10 : f32
          %add3A_756 = vector.broadcast %add3A_755 : f32 to vector<16xf32>
          %add3A_757 = arith.addf %sub3A_754, %add3A_756 : vector<16xf32>
          %div3A_758 = arith.divf %mul3A_752, %add3A_757 : vector<16xf32>
          %add3A_759 = arith.addi %mul3A_21, %mul3A_727 : i32
          %add3A_760 = vector.broadcast %add3A_759 : i32 to vector<16xi32>
          %add3A_761 = arith.addi %add3A_760, %iota3A : vector<16xi32>
          %gt3A_762 = arith.constant 5.000000e-01 : f32
          %gt3A_763 = vector.broadcast %gt3A_762 : f32 to vector<16xf32>
          %gt3A_764 = arith.cmpf ogt, %div3A_758, %gt3A_763 : vector<16xf32>
          %eq3A_765 = arith.cmpi eq, %add3A_761, %broadcast_in_dim3A_586 : vector<16xi32>
          %or3A_766 = arith.ori %gt3A_764, %eq3A_765 : vector<16xi1>
          %select_n3A_767 = arith.select %or3A_766, %broadcast_in_dim3A_22, %get3A_729 : vector<16xi1>, vector<16xf32>
          %swap3A_768 = arith.index_cast %mul3A_727 : i32 to index
          %swap3A_769 = tpu.vector_load %arg16[%swap3A_768] {strides = array<i32>} : memref<2560xf32, #tpu.memory_space<vmem>>, vector<16xf32>,
          tpu.vector_store %arg16[%swap3A_768], %select_n3A_767 {strides = array<i32>} : memref<2560xf32, #tpu.memory_space<vmem>>, vector<16xf32>,
          %gt3A_770 = arith.cmpf ogt, %select_n3A_767, %select_n3A_720 : vector<16xf32>
          %select_n3A_771 = arith.select %gt3A_770, %select_n3A_767, %select_n3A_720 : vector<16xi1>, vector<16xf32>
          %select_n3A_772 = arith.select %gt3A_770, %add3A_761, %select_n3A_721 : vector<16xi1>, vector<16xi32>
          %mul3A_773 = arith.constant 4 : i32
          %mul3A_774 = arith.muli %scan3A_668, %mul3A_773 : i32
          %add3A_775 = arith.constant 2 : i32
          %add3A_776 = arith.addi %mul3A_774, %add3A_775 : i32
          %mul3A_777 = arith.constant 16 : i32
          %mul3A_778 = arith.muli %add3A_776, %mul3A_777 : i32
          %get3A_779 = arith.index_cast %mul3A_778 : i32 to index
          %get3A_780 = tpu.vector_load %arg16[%get3A_779] {strides = array<i32>} : memref<2560xf32, #tpu.memory_space<vmem>>, vector<16xf32>,
          %get3A_781 = arith.index_cast %mul3A_778 : i32 to index
          %get3A_782 = tpu.vector_load %arg17[%get3A_781] {strides = array<i32>} : memref<2560xf32, #tpu.memory_space<vmem>>, vector<16xf32>,
          %get3A_783 = arith.index_cast %mul3A_778 : i32 to index
          %get3A_784 = tpu.vector_load %arg18[%get3A_783] {strides = array<i32>} : memref<2560xf32, #tpu.memory_space<vmem>>, vector<16xf32>,
          %get3A_785 = arith.index_cast %mul3A_778 : i32 to index
          %get3A_786 = tpu.vector_load %arg19[%get3A_785] {strides = array<i32>} : memref<2560xf32, #tpu.memory_space<vmem>>, vector<16xf32>,
          %get3A_787 = arith.index_cast %mul3A_778 : i32 to index
          %get3A_788 = tpu.vector_load %arg20[%get3A_787] {strides = array<i32>} : memref<2560xf32, #tpu.memory_space<vmem>>, vector<16xf32>,
          %get3A_789 = arith.index_cast %mul3A_778 : i32 to index
          %get3A_790 = tpu.vector_load %arg21[%get3A_789] {strides = array<i32>} : memref<2560xf32, #tpu.memory_space<vmem>>, vector<16xf32>,
          %max3A_791 = arith.maximumf %broadcast_in_dim3A_581, %get3A_782 : vector<16xf32>
          %max3A_792 = arith.maximumf %broadcast_in_dim3A_582, %get3A_784 : vector<16xf32>
          %min3A_793 = arith.minimumf %broadcast_in_dim3A_583, %get3A_786 : vector<16xf32>
          %min3A_794 = arith.minimumf %broadcast_in_dim3A_584, %get3A_788 : vector<16xf32>
          %sub3A_795 = arith.subf %min3A_793, %max3A_791 : vector<16xf32>
          %max3A_796 = arith.constant 0.000000e+00 : f32
          %max3A_797 = vector.broadcast %max3A_796 : f32 to vector<16xf32>
          %max3A_798 = arith.maximumf %sub3A_795, %max3A_797 : vector<16xf32>
          %sub3A_799 = arith.subf %min3A_794, %max3A_792 : vector<16xf32>
          %max3A_800 = arith.constant 0.000000e+00 : f32
          %max3A_801 = vector.broadcast %max3A_800 : f32 to vector<16xf32>
          %max3A_802 = arith.maximumf %sub3A_799, %max3A_801 : vector<16xf32>
          %mul3A_803 = arith.mulf %max3A_798, %max3A_802 : vector<16xf32>
          %add3A_804 = arith.addf %broadcast_in_dim3A_585, %get3A_790 : vector<16xf32>
          %sub3A_805 = arith.subf %add3A_804, %mul3A_803 : vector<16xf32>
          %add3A_806 = arith.constant 9.99999971E-10 : f32
          %add3A_807 = vector.broadcast %add3A_806 : f32 to vector<16xf32>
          %add3A_808 = arith.addf %sub3A_805, %add3A_807 : vector<16xf32>
          %div3A_809 = arith.divf %mul3A_803, %add3A_808 : vector<16xf32>
          %add3A_810 = arith.addi %mul3A_21, %mul3A_778 : i32
          %add3A_811 = vector.broadcast %add3A_810 : i32 to vector<16xi32>
          %add3A_812 = arith.addi %add3A_811, %iota3A : vector<16xi32>
          %gt3A_813 = arith.constant 5.000000e-01 : f32
          %gt3A_814 = vector.broadcast %gt3A_813 : f32 to vector<16xf32>
          %gt3A_815 = arith.cmpf ogt, %div3A_809, %gt3A_814 : vector<16xf32>
          %eq3A_816 = arith.cmpi eq, %add3A_812, %broadcast_in_dim3A_586 : vector<16xi32>
          %or3A_817 = arith.ori %gt3A_815, %eq3A_816 : vector<16xi1>
          %select_n3A_818 = arith.select %or3A_817, %broadcast_in_dim3A_22, %get3A_780 : vector<16xi1>, vector<16xf32>
          %swap3A_819 = arith.index_cast %mul3A_778 : i32 to index
          %swap3A_820 = tpu.vector_load %arg16[%swap3A_819] {strides = array<i32>} : memref<2560xf32, #tpu.memory_space<vmem>>, vector<16xf32>,
          tpu.vector_store %arg16[%swap3A_819], %select_n3A_818 {strides = array<i32>} : memref<2560xf32, #tpu.memory_space<vmem>>, vector<16xf32>,
          %gt3A_821 = arith.cmpf ogt, %select_n3A_818, %select_n3A_771 : vector<16xf32>
          %select_n3A_822 = arith.select %gt3A_821, %select_n3A_818, %select_n3A_771 : vector<16xi1>, vector<16xf32>
          %select_n3A_823 = arith.select %gt3A_821, %add3A_812, %select_n3A_772 : vector<16xi1>, vector<16xi32>
          %mul3A_824 = arith.constant 4 : i32
          %mul3A_825 = arith.muli %scan3A_668, %mul3A_824 : i32
          %add3A_826 = arith.constant 3 : i32
          %add3A_827 = arith.addi %mul3A_825, %add3A_826 : i32
          %mul3A_828 = arith.constant 16 : i32
          %mul3A_829 = arith.muli %add3A_827, %mul3A_828 : i32
          %get3A_830 = arith.index_cast %mul3A_829 : i32 to index
          %get3A_831 = tpu.vector_load %arg16[%get3A_830] {strides = array<i32>} : memref<2560xf32, #tpu.memory_space<vmem>>, vector<16xf32>,
          %get3A_832 = arith.index_cast %mul3A_829 : i32 to index
          %get3A_833 = tpu.vector_load %arg17[%get3A_832] {strides = array<i32>} : memref<2560xf32, #tpu.memory_space<vmem>>, vector<16xf32>,
          %get3A_834 = arith.index_cast %mul3A_829 : i32 to index
          %get3A_835 = tpu.vector_load %arg18[%get3A_834] {strides = array<i32>} : memref<2560xf32, #tpu.memory_space<vmem>>, vector<16xf32>,
          %get3A_836 = arith.index_cast %mul3A_829 : i32 to index
          %get3A_837 = tpu.vector_load %arg19[%get3A_836] {strides = array<i32>} : memref<2560xf32, #tpu.memory_space<vmem>>, vector<16xf32>,
          %get3A_838 = arith.index_cast %mul3A_829 : i32 to index
          %get3A_839 = tpu.vector_load %arg20[%get3A_838] {strides = array<i32>} : memref<2560xf32, #tpu.memory_space<vmem>>, vector<16xf32>,
          %get3A_840 = arith.index_cast %mul3A_829 : i32 to index
          %get3A_841 = tpu.vector_load %arg21[%get3A_840] {strides = array<i32>} : memref<2560xf32, #tpu.memory_space<vmem>>, vector<16xf32>,
          %max3A_842 = arith.maximumf %broadcast_in_dim3A_581, %get3A_833 : vector<16xf32>
          %max3A_843 = arith.maximumf %broadcast_in_dim3A_582, %get3A_835 : vector<16xf32>
          %min3A_844 = arith.minimumf %broadcast_in_dim3A_583, %get3A_837 : vector<16xf32>
          %min3A_845 = arith.minimumf %broadcast_in_dim3A_584, %get3A_839 : vector<16xf32>
          %sub3A_846 = arith.subf %min3A_844, %max3A_842 : vector<16xf32>
          %max3A_847 = arith.constant 0.000000e+00 : f32
          %max3A_848 = vector.broadcast %max3A_847 : f32 to vector<16xf32>
          %max3A_849 = arith.maximumf %sub3A_846, %max3A_848 : vector<16xf32>
          %sub3A_850 = arith.subf %min3A_845, %max3A_843 : vector<16xf32>
          %max3A_851 = arith.constant 0.000000e+00 : f32
          %max3A_852 = vector.broadcast %max3A_851 : f32 to vector<16xf32>
          %max3A_853 = arith.maximumf %sub3A_850, %max3A_852 : vector<16xf32>
          %mul3A_854 = arith.mulf %max3A_849, %max3A_853 : vector<16xf32>
          %add3A_855 = arith.addf %broadcast_in_dim3A_585, %get3A_841 : vector<16xf32>
          %sub3A_856 = arith.subf %add3A_855, %mul3A_854 : vector<16xf32>
          %add3A_857 = arith.constant 9.99999971E-10 : f32
          %add3A_858 = vector.broadcast %add3A_857 : f32 to vector<16xf32>
          %add3A_859 = arith.addf %sub3A_856, %add3A_858 : vector<16xf32>
          %div3A_860 = arith.divf %mul3A_854, %add3A_859 : vector<16xf32>
          %add3A_861 = arith.addi %mul3A_21, %mul3A_829 : i32
          %add3A_862 = vector.broadcast %add3A_861 : i32 to vector<16xi32>
          %add3A_863 = arith.addi %add3A_862, %iota3A : vector<16xi32>
          %gt3A_864 = arith.constant 5.000000e-01 : f32
          %gt3A_865 = vector.broadcast %gt3A_864 : f32 to vector<16xf32>
          %gt3A_866 = arith.cmpf ogt, %div3A_860, %gt3A_865 : vector<16xf32>
          %eq3A_867 = arith.cmpi eq, %add3A_863, %broadcast_in_dim3A_586 : vector<16xi32>
          %or3A_868 = arith.ori %gt3A_866, %eq3A_867 : vector<16xi1>
          %select_n3A_869 = arith.select %or3A_868, %broadcast_in_dim3A_22, %get3A_831 : vector<16xi1>, vector<16xf32>
          %swap3A_870 = arith.index_cast %mul3A_829 : i32 to index
          %swap3A_871 = tpu.vector_load %arg16[%swap3A_870] {strides = array<i32>} : memref<2560xf32, #tpu.memory_space<vmem>>, vector<16xf32>,
          tpu.vector_store %arg16[%swap3A_870], %select_n3A_869 {strides = array<i32>} : memref<2560xf32, #tpu.memory_space<vmem>>, vector<16xf32>,
          %gt3A_872 = arith.cmpf ogt, %select_n3A_869, %select_n3A_822 : vector<16xf32>
          %select_n3A_873 = arith.select %gt3A_872, %select_n3A_869, %select_n3A_822 : vector<16xi1>, vector<16xf32>
          %select_n3A_874 = arith.select %gt3A_872, %add3A_863, %select_n3A_823 : vector<16xi1>, vector<16xi32>
          scf.yield %select_n3A_873, %select_n3A_874 : vector<16xf32>, vector<16xi32>
        }
        %scan3A_592 = arith.constant 40 : i32
        %add3A_593 = arith.constant 1 : i32
        %add3A_594 = arith.addi %scan3A_100, %add3A_593 : i32
        %rem3A_595 = arith.constant 2 : i32
        %rem3A_596 = arith.remsi %add3A_594, %rem3A_595 : i32
        %reduce_max3A_597 = arith.constant true
        %reduce_max3A_598 = vector.broadcast %reduce_max3A_597 : i1 to vector<16xi1>
        %reduce_max3A_599 = tpu.scan <max>, %scan3A_591#0 masked %reduce_max3A_598 : vector<16xf32>, vector<16xi1> -> vector<16xf32>
        %reduce_max3A_600 = vector.extract %reduce_max3A_599[15] : f32 from vector<16xf32>
        %eq3A_601 = vector.broadcast %reduce_max3A_600 : f32 to vector<16xf32>
        %eq3A_602 = arith.cmpf oeq, %scan3A_591#0, %eq3A_601 : vector<16xf32>
        %jit3A_603 = arith.constant 1073741824 : i32
        %broadcast_in_dim3A_604 = vector.broadcast %jit3A_603 : i32 to vector<16xi32>
        %select_n3A_605 = arith.select %eq3A_602, %scan3A_591#1, %broadcast_in_dim3A_604 : vector<16xi1>, vector<16xi32>
        %reduce_min3A_606 = arith.constant true
        %reduce_min3A_607 = vector.broadcast %reduce_min3A_606 : i1 to vector<16xi1>
        %reduce_min3A_608 = arith.constant -2147483648 : i32
        %reduce_min3A_609 = vector.broadcast %reduce_min3A_608 : i32 to vector<16xi32>
        %reduce_min3A_610 = arith.xori %select_n3A_605, %reduce_min3A_609 : vector<16xi32>
        %reduce_min3A_611 = tpu.scan <min>, %reduce_min3A_610 masked %reduce_min3A_607 : vector<16xi32>, vector<16xi1> -> vector<16xi32>
        %reduce_min3A_612 = arith.xori %reduce_min3A_611, %reduce_min3A_609 : vector<16xi32>
        %reduce_min3A_613 = vector.extract %reduce_min3A_612[15] : i32 from vector<16xi32>
        %sub3A_614 = arith.subi %reduce_min3A_613, %mul3A_21 : i32
        %jit3A_615 = arith.constant 0 : i32
        %jit3A_616 = arith.constant 2559 : i32
        %max3A_617 = arith.maxsi %jit3A_615, %sub3A_614 : i32
        %min3A_618 = arith.minsi %jit3A_616, %max3A_617 : i32
        %broadcast_in_dim3A_619 = vector.broadcast %min3A_618 : i32 to vector<16xi32>
        %gather3A_620 = tpu.vector_load_idx %arg17[%broadcast_in_dim3A_619] : memref<2560xf32, #tpu.memory_space<vmem>>[vector<16xi32>], vector<16xf32>,
        %gather3A_621 = tpu.vector_load_idx %arg18[%broadcast_in_dim3A_619] : memref<2560xf32, #tpu.memory_space<vmem>>[vector<16xi32>], vector<16xf32>,
        %gather3A_622 = tpu.vector_load_idx %arg19[%broadcast_in_dim3A_619] : memref<2560xf32, #tpu.memory_space<vmem>>[vector<16xi32>], vector<16xf32>,
        %gather3A_623 = tpu.vector_load_idx %arg20[%broadcast_in_dim3A_619] : memref<2560xf32, #tpu.memory_space<vmem>>[vector<16xi32>], vector<16xf32>,
        %gather3A_624 = tpu.vector_load_idx %arg22[%broadcast_in_dim3A_619] : memref<2560xi32, #tpu.memory_space<vmem>>[vector<16xi32>], vector<16xi32>,
        %eq3A_625 = arith.constant 0 : i32
        %eq3A_626 = vector.broadcast %eq3A_625 : i32 to vector<16xi32>
        %eq3A_627 = arith.cmpi eq, %iota3A, %eq3A_626 : vector<16xi32>
        %jit3A_628 = arith.constant 0.000000e+00 : f32
        %broadcast_in_dim3A_629 = vector.broadcast %reduce_max3A_600 : f32 to vector<16xf32>
        %broadcast_in_dim3A_630 = vector.broadcast %jit3A_628 : f32 to vector<16xf32>
        %select_n3A_631 = arith.select %eq3A_627, %broadcast_in_dim3A_629, %broadcast_in_dim3A_630 : vector<16xi1>, vector<16xf32>
        %eq3A_632 = arith.constant 2 : i32
        %eq3A_633 = vector.broadcast %eq3A_632 : i32 to vector<16xi32>
        %eq3A_634 = arith.cmpi eq, %iota3A, %eq3A_633 : vector<16xi32>
        %select_n3A_635 = arith.select %eq3A_634, %gather3A_620, %select_n3A_631 : vector<16xi1>, vector<16xf32>
        %eq3A_636 = arith.constant 3 : i32
        %eq3A_637 = vector.broadcast %eq3A_636 : i32 to vector<16xi32>
        %eq3A_638 = arith.cmpi eq, %iota3A, %eq3A_637 : vector<16xi32>
        %select_n3A_639 = arith.select %eq3A_638, %gather3A_621, %select_n3A_635 : vector<16xi1>, vector<16xf32>
        %eq3A_640 = arith.constant 4 : i32
        %eq3A_641 = vector.broadcast %eq3A_640 : i32 to vector<16xi32>
        %eq3A_642 = arith.cmpi eq, %iota3A, %eq3A_641 : vector<16xi32>
        %select_n3A_643 = arith.select %eq3A_642, %gather3A_622, %select_n3A_639 : vector<16xi1>, vector<16xf32>
        %eq3A_644 = arith.constant 5 : i32
        %eq3A_645 = vector.broadcast %eq3A_644 : i32 to vector<16xi32>
        %eq3A_646 = arith.cmpi eq, %iota3A, %eq3A_645 : vector<16xi32>
        %select_n3A_647 = arith.select %eq3A_646, %gather3A_623, %select_n3A_643 : vector<16xi1>, vector<16xf32>
        %bitcast3A_648 = vector.bitcast %select_n3A_647 : vector<16xf32> to vector<16xi32>
        %eq3A_649 = arith.constant 1 : i32
        %eq3A_650 = vector.broadcast %eq3A_649 : i32 to vector<16xi32>
        %eq3A_651 = arith.cmpi eq, %iota3A, %eq3A_650 : vector<16xi32>
        %broadcast_in_dim3A_652 = vector.broadcast %reduce_min3A_613 : i32 to vector<16xi32>
        %select_n3A_653 = arith.select %eq3A_651, %broadcast_in_dim3A_652, %bitcast3A_648 : vector<16xi1>, vector<16xi32>
        %eq3A_654 = arith.constant 6 : i32
        %eq3A_655 = vector.broadcast %eq3A_654 : i32 to vector<16xi32>
        %eq3A_656 = arith.cmpi eq, %iota3A, %eq3A_655 : vector<16xi32>
        %select_n3A_657 = arith.select %eq3A_656, %gather3A_624, %select_n3A_653 : vector<16xi1>, vector<16xi32>
        %swap3A_658 = arith.constant 0 : index
        %swap3A_659 = tpu.vector_load %arg23[%swap3A_658] {strides = array<i32>} : memref<16xi32, #tpu.memory_space<vmem>>, vector<16xi32>,
        tpu.vector_store %arg23[%swap3A_658], %select_n3A_657 {strides = array<i32>} : memref<16xi32, #tpu.memory_space<vmem>>, vector<16xi32>,
        %mul3A_660 = arith.constant 16 : i32
        %mul3A_661 = arith.muli %rem3A_596, %mul3A_660 : i32
        %add3A_662 = arith.constant 64 : i32
        %add3A_663 = arith.addi %add3A_662, %mul3A_661 : i32
        %mul3A_664 = arith.constant 8 : i32
        %mul3A_665 = arith.muli %select_n3A, %mul3A_664 : i32
        %add3A_666 = arith.addi %add3A_663, %mul3A_665 : i32
        %add3A_667 = arith.addi %add3A_666, %sub3A_17 : i32
        "tpu.region"() ({
          %run_scoped3A = tpu.sem_alloc : memref<!tpu.dma_semaphore, #tpu.memory_space<semaphore_mem>>
          %dma_start3A_668 = arith.constant 0 : i32
          %dma_start3A_669 = tpu.memref_slice %arg34[%add3A_667, %dma_start3A_668] : memref<96x16xi32, #tpu.memory_space<vmem_shared>> -> memref<1x16xi32, #tpu.memory_space<vmem_shared>>
          %dma_start3A_670 = tpu.memref_squeeze %dma_start3A_669 : memref<1x16xi32, #tpu.memory_space<vmem_shared>> -> memref<16xi32, #tpu.memory_space<vmem_shared>>
          %dma_start3A_671 = arith.constant 0 : i32
          %dma_start3A_672 = tpu.memref_slice %arg34[%add3A_667, %dma_start3A_671] : memref<96x16xi32, #tpu.memory_space<vmem_shared>> -> memref<1x16xi32, #tpu.memory_space<vmem_shared>>
          %dma_start3A_673 = tpu.memref_squeeze %dma_start3A_672 : memref<1x16xi32, #tpu.memory_space<vmem_shared>> -> memref<16xi32, #tpu.memory_space<vmem_shared>>
          tpu.enqueue_dma source(%arg23 : memref<16xi32, #tpu.memory_space<vmem>>) target(%dma_start3A_673 : memref<16xi32, #tpu.memory_space<vmem_shared>>) target_semaphore(%run_scoped3A : memref<!tpu.dma_semaphore, #tpu.memory_space<semaphore_mem>>)
          %dma_wait3A_674 = arith.constant 0 : i32
          %dma_wait3A_675 = tpu.memref_slice %arg34[%add3A_667, %dma_wait3A_674] : memref<96x16xi32, #tpu.memory_space<vmem_shared>> -> memref<1x16xi32, #tpu.memory_space<vmem_shared>>
          %dma_wait3A_676 = tpu.memref_squeeze %dma_wait3A_675 : memref<1x16xi32, #tpu.memory_space<vmem_shared>> -> memref<16xi32, #tpu.memory_space<vmem_shared>>
          %dma_wait3A_677 = arith.constant 0 : i32
          %dma_wait3A_678 = tpu.memref_slice %arg34[%add3A_667, %dma_wait3A_677] : memref<96x16xi32, #tpu.memory_space<vmem_shared>> -> memref<1x16xi32, #tpu.memory_space<vmem_shared>>
          %dma_wait3A_679 = tpu.memref_squeeze %dma_wait3A_678 : memref<1x16xi32, #tpu.memory_space<vmem_shared>> -> memref<16xi32, #tpu.memory_space<vmem_shared>>
          tpu.wait_dma2 semaphore(%run_scoped3A : memref<!tpu.dma_semaphore, #tpu.memory_space<semaphore_mem>>) src(%arg23 : memref<16xi32, #tpu.memory_space<vmem>>) dst(%dma_wait3A_679 : memref<16xi32, #tpu.memory_space<vmem_shared>>)
          tpu.yield
        }) : () -> ()
      } else {
      }
      %convert_element_type3A_576 = arith.extui %gt3A_565 : i1 to i32
      %add3A_577 = arith.addi %scan3A_101, %convert_element_type3A_576 : i32
      scf.yield %add3A_577 : i32
    }
    %scan3A_96 = arith.constant 100 : i32
    %eq3A_97 = arith.constant 0 : i32
    %eq3A_98 = arith.cmpi eq, %sub3A_17, %eq3A_97 : i32
    %convert_element_type3A = arith.extui %eq3A_98 : i1 to i32
    %cond3A = arith.constant 0 : i32
    %cond3A_99 = arith.cmpi ne, %convert_element_type3A, %cond3A : i32
    scf.if %cond3A_99 {
      %broadcast_in_dim3A_100 = vector.broadcast %scan3A_95 : i32 to vector<16xi32>
      %swap3A_101 = arith.constant 0 : index
      %swap3A_102 = tpu.vector_load %arg33[%swap3A_101] {strides = array<i32>} : memref<16xi32, #tpu.memory_space<vmem>>, vector<16xi32>,
      tpu.vector_store %arg33[%swap3A_101], %broadcast_in_dim3A_100 {strides = array<i32>} : memref<16xi32, #tpu.memory_space<vmem>>, vector<16xi32>,
      "tpu.region"() ({
        %run_scoped3A = tpu.sem_alloc : memref<!tpu.dma_semaphore, #tpu.memory_space<semaphore_mem>>
        %dma_start3A = arith.constant 0 : i32
        %dma_start3A_103 = tpu.memref_slice %arg8[%add3A, %dma_start3A] : memref<4x128xi32, #tpu.memory_space<hbm>> -> memref<1x128xi32, #tpu.memory_space<hbm>>
        %dma_start3A_104 = tpu.memref_squeeze %dma_start3A_103 : memref<1x128xi32, #tpu.memory_space<hbm>> -> memref<128xi32, #tpu.memory_space<hbm>>
        %dma_start3A_105 = arith.constant 0 : i32
        %dma_start3A_106 = tpu.memref_slice %arg8[%add3A, %dma_start3A_105] : memref<4x128xi32, #tpu.memory_space<hbm>> -> memref<1x128xi32, #tpu.memory_space<hbm>>
        %dma_start3A_107 = tpu.memref_squeeze %dma_start3A_106 : memref<1x128xi32, #tpu.memory_space<hbm>> -> memref<128xi32, #tpu.memory_space<hbm>>
        tpu.enqueue_dma source(%arg26 : memref<128xi32, #tpu.memory_space<vmem>>) target(%dma_start3A_107 : memref<128xi32, #tpu.memory_space<hbm>>) target_semaphore(%run_scoped3A : memref<!tpu.dma_semaphore, #tpu.memory_space<semaphore_mem>>)
        %dma_wait3A = arith.constant 0 : i32
        %dma_wait3A_108 = tpu.memref_slice %arg8[%add3A, %dma_wait3A] : memref<4x128xi32, #tpu.memory_space<hbm>> -> memref<1x128xi32, #tpu.memory_space<hbm>>
        %dma_wait3A_109 = tpu.memref_squeeze %dma_wait3A_108 : memref<1x128xi32, #tpu.memory_space<hbm>> -> memref<128xi32, #tpu.memory_space<hbm>>
        %dma_wait3A_110 = arith.constant 0 : i32
        %dma_wait3A_111 = tpu.memref_slice %arg8[%add3A, %dma_wait3A_110] : memref<4x128xi32, #tpu.memory_space<hbm>> -> memref<1x128xi32, #tpu.memory_space<hbm>>
        %dma_wait3A_112 = tpu.memref_squeeze %dma_wait3A_111 : memref<1x128xi32, #tpu.memory_space<hbm>> -> memref<128xi32, #tpu.memory_space<hbm>>
        tpu.wait_dma2 semaphore(%run_scoped3A : memref<!tpu.dma_semaphore, #tpu.memory_space<semaphore_mem>>) src(%arg26 : memref<128xi32, #tpu.memory_space<vmem>>) dst(%dma_wait3A_112 : memref<128xi32, #tpu.memory_space<hbm>>)
        tpu.yield
      }) : () -> ()
      "tpu.region"() ({
        %run_scoped3A = tpu.sem_alloc : memref<!tpu.dma_semaphore, #tpu.memory_space<semaphore_mem>>
        %dma_start3A = arith.constant 0 : i32
        %dma_start3A_103 = tpu.memref_slice %arg9[%add3A, %dma_start3A] : memref<4x128xf32, #tpu.memory_space<hbm>> -> memref<1x128xf32, #tpu.memory_space<hbm>>
        %dma_start3A_104 = tpu.memref_squeeze %dma_start3A_103 : memref<1x128xf32, #tpu.memory_space<hbm>> -> memref<128xf32, #tpu.memory_space<hbm>>
        %dma_start3A_105 = arith.constant 0 : i32
        %dma_start3A_106 = tpu.memref_slice %arg9[%add3A, %dma_start3A_105] : memref<4x128xf32, #tpu.memory_space<hbm>> -> memref<1x128xf32, #tpu.memory_space<hbm>>
        %dma_start3A_107 = tpu.memref_squeeze %dma_start3A_106 : memref<1x128xf32, #tpu.memory_space<hbm>> -> memref<128xf32, #tpu.memory_space<hbm>>
        tpu.enqueue_dma source(%arg27 : memref<128xf32, #tpu.memory_space<vmem>>) target(%dma_start3A_107 : memref<128xf32, #tpu.memory_space<hbm>>) target_semaphore(%run_scoped3A : memref<!tpu.dma_semaphore, #tpu.memory_space<semaphore_mem>>)
        %dma_wait3A = arith.constant 0 : i32
        %dma_wait3A_108 = tpu.memref_slice %arg9[%add3A, %dma_wait3A] : memref<4x128xf32, #tpu.memory_space<hbm>> -> memref<1x128xf32, #tpu.memory_space<hbm>>
        %dma_wait3A_109 = tpu.memref_squeeze %dma_wait3A_108 : memref<1x128xf32, #tpu.memory_space<hbm>> -> memref<128xf32, #tpu.memory_space<hbm>>
        %dma_wait3A_110 = arith.constant 0 : i32
        %dma_wait3A_111 = tpu.memref_slice %arg9[%add3A, %dma_wait3A_110] : memref<4x128xf32, #tpu.memory_space<hbm>> -> memref<1x128xf32, #tpu.memory_space<hbm>>
        %dma_wait3A_112 = tpu.memref_squeeze %dma_wait3A_111 : memref<1x128xf32, #tpu.memory_space<hbm>> -> memref<128xf32, #tpu.memory_space<hbm>>
        tpu.wait_dma2 semaphore(%run_scoped3A : memref<!tpu.dma_semaphore, #tpu.memory_space<semaphore_mem>>) src(%arg27 : memref<128xf32, #tpu.memory_space<vmem>>) dst(%dma_wait3A_112 : memref<128xf32, #tpu.memory_space<hbm>>)
        tpu.yield
      }) : () -> ()
      "tpu.region"() ({
        %run_scoped3A = tpu.sem_alloc : memref<!tpu.dma_semaphore, #tpu.memory_space<semaphore_mem>>
        %dma_start3A = arith.constant 0 : i32
        %dma_start3A_103 = tpu.memref_slice %arg10[%add3A, %dma_start3A] : memref<4x128xf32, #tpu.memory_space<hbm>> -> memref<1x128xf32, #tpu.memory_space<hbm>>
        %dma_start3A_104 = tpu.memref_squeeze %dma_start3A_103 : memref<1x128xf32, #tpu.memory_space<hbm>> -> memref<128xf32, #tpu.memory_space<hbm>>
        %dma_start3A_105 = arith.constant 0 : i32
        %dma_start3A_106 = tpu.memref_slice %arg10[%add3A, %dma_start3A_105] : memref<4x128xf32, #tpu.memory_space<hbm>> -> memref<1x128xf32, #tpu.memory_space<hbm>>
        %dma_start3A_107 = tpu.memref_squeeze %dma_start3A_106 : memref<1x128xf32, #tpu.memory_space<hbm>> -> memref<128xf32, #tpu.memory_space<hbm>>
        tpu.enqueue_dma source(%arg28 : memref<128xf32, #tpu.memory_space<vmem>>) target(%dma_start3A_107 : memref<128xf32, #tpu.memory_space<hbm>>) target_semaphore(%run_scoped3A : memref<!tpu.dma_semaphore, #tpu.memory_space<semaphore_mem>>)
        %dma_wait3A = arith.constant 0 : i32
        %dma_wait3A_108 = tpu.memref_slice %arg10[%add3A, %dma_wait3A] : memref<4x128xf32, #tpu.memory_space<hbm>> -> memref<1x128xf32, #tpu.memory_space<hbm>>
        %dma_wait3A_109 = tpu.memref_squeeze %dma_wait3A_108 : memref<1x128xf32, #tpu.memory_space<hbm>> -> memref<128xf32, #tpu.memory_space<hbm>>
        %dma_wait3A_110 = arith.constant 0 : i32
        %dma_wait3A_111 = tpu.memref_slice %arg10[%add3A, %dma_wait3A_110] : memref<4x128xf32, #tpu.memory_space<hbm>> -> memref<1x128xf32, #tpu.memory_space<hbm>>
        %dma_wait3A_112 = tpu.memref_squeeze %dma_wait3A_111 : memref<1x128xf32, #tpu.memory_space<hbm>> -> memref<128xf32, #tpu.memory_space<hbm>>
        tpu.wait_dma2 semaphore(%run_scoped3A : memref<!tpu.dma_semaphore, #tpu.memory_space<semaphore_mem>>) src(%arg28 : memref<128xf32, #tpu.memory_space<vmem>>) dst(%dma_wait3A_112 : memref<128xf32, #tpu.memory_space<hbm>>)
        tpu.yield
      }) : () -> ()
      "tpu.region"() ({
        %run_scoped3A = tpu.sem_alloc : memref<!tpu.dma_semaphore, #tpu.memory_space<semaphore_mem>>
        %dma_start3A = arith.constant 0 : i32
        %dma_start3A_103 = tpu.memref_slice %arg11[%add3A, %dma_start3A] : memref<4x128xf32, #tpu.memory_space<hbm>> -> memref<1x128xf32, #tpu.memory_space<hbm>>
        %dma_start3A_104 = tpu.memref_squeeze %dma_start3A_103 : memref<1x128xf32, #tpu.memory_space<hbm>> -> memref<128xf32, #tpu.memory_space<hbm>>
        %dma_start3A_105 = arith.constant 0 : i32
        %dma_start3A_106 = tpu.memref_slice %arg11[%add3A, %dma_start3A_105] : memref<4x128xf32, #tpu.memory_space<hbm>> -> memref<1x128xf32, #tpu.memory_space<hbm>>
        %dma_start3A_107 = tpu.memref_squeeze %dma_start3A_106 : memref<1x128xf32, #tpu.memory_space<hbm>> -> memref<128xf32, #tpu.memory_space<hbm>>
        tpu.enqueue_dma source(%arg29 : memref<128xf32, #tpu.memory_space<vmem>>) target(%dma_start3A_107 : memref<128xf32, #tpu.memory_space<hbm>>) target_semaphore(%run_scoped3A : memref<!tpu.dma_semaphore, #tpu.memory_space<semaphore_mem>>)
        %dma_wait3A = arith.constant 0 : i32
        %dma_wait3A_108 = tpu.memref_slice %arg11[%add3A, %dma_wait3A] : memref<4x128xf32, #tpu.memory_space<hbm>> -> memref<1x128xf32, #tpu.memory_space<hbm>>
        %dma_wait3A_109 = tpu.memref_squeeze %dma_wait3A_108 : memref<1x128xf32, #tpu.memory_space<hbm>> -> memref<128xf32, #tpu.memory_space<hbm>>
        %dma_wait3A_110 = arith.constant 0 : i32
        %dma_wait3A_111 = tpu.memref_slice %arg11[%add3A, %dma_wait3A_110] : memref<4x128xf32, #tpu.memory_space<hbm>> -> memref<1x128xf32, #tpu.memory_space<hbm>>
        %dma_wait3A_112 = tpu.memref_squeeze %dma_wait3A_111 : memref<1x128xf32, #tpu.memory_space<hbm>> -> memref<128xf32, #tpu.memory_space<hbm>>
        tpu.wait_dma2 semaphore(%run_scoped3A : memref<!tpu.dma_semaphore, #tpu.memory_space<semaphore_mem>>) src(%arg29 : memref<128xf32, #tpu.memory_space<vmem>>) dst(%dma_wait3A_112 : memref<128xf32, #tpu.memory_space<hbm>>)
        tpu.yield
      }) : () -> ()
      "tpu.region"() ({
        %run_scoped3A = tpu.sem_alloc : memref<!tpu.dma_semaphore, #tpu.memory_space<semaphore_mem>>
        %dma_start3A = arith.constant 0 : i32
        %dma_start3A_103 = tpu.memref_slice %arg12[%add3A, %dma_start3A] : memref<4x128xf32, #tpu.memory_space<hbm>> -> memref<1x128xf32, #tpu.memory_space<hbm>>
        %dma_start3A_104 = tpu.memref_squeeze %dma_start3A_103 : memref<1x128xf32, #tpu.memory_space<hbm>> -> memref<128xf32, #tpu.memory_space<hbm>>
        %dma_start3A_105 = arith.constant 0 : i32
        %dma_start3A_106 = tpu.memref_slice %arg12[%add3A, %dma_start3A_105] : memref<4x128xf32, #tpu.memory_space<hbm>> -> memref<1x128xf32, #tpu.memory_space<hbm>>
        %dma_start3A_107 = tpu.memref_squeeze %dma_start3A_106 : memref<1x128xf32, #tpu.memory_space<hbm>> -> memref<128xf32, #tpu.memory_space<hbm>>
        tpu.enqueue_dma source(%arg30 : memref<128xf32, #tpu.memory_space<vmem>>) target(%dma_start3A_107 : memref<128xf32, #tpu.memory_space<hbm>>) target_semaphore(%run_scoped3A : memref<!tpu.dma_semaphore, #tpu.memory_space<semaphore_mem>>)
        %dma_wait3A = arith.constant 0 : i32
        %dma_wait3A_108 = tpu.memref_slice %arg12[%add3A, %dma_wait3A] : memref<4x128xf32, #tpu.memory_space<hbm>> -> memref<1x128xf32, #tpu.memory_space<hbm>>
        %dma_wait3A_109 = tpu.memref_squeeze %dma_wait3A_108 : memref<1x128xf32, #tpu.memory_space<hbm>> -> memref<128xf32, #tpu.memory_space<hbm>>
        %dma_wait3A_110 = arith.constant 0 : i32
        %dma_wait3A_111 = tpu.memref_slice %arg12[%add3A, %dma_wait3A_110] : memref<4x128xf32, #tpu.memory_space<hbm>> -> memref<1x128xf32, #tpu.memory_space<hbm>>
        %dma_wait3A_112 = tpu.memref_squeeze %dma_wait3A_111 : memref<1x128xf32, #tpu.memory_space<hbm>> -> memref<128xf32, #tpu.memory_space<hbm>>
        tpu.wait_dma2 semaphore(%run_scoped3A : memref<!tpu.dma_semaphore, #tpu.memory_space<semaphore_mem>>) src(%arg30 : memref<128xf32, #tpu.memory_space<vmem>>) dst(%dma_wait3A_112 : memref<128xf32, #tpu.memory_space<hbm>>)
        tpu.yield
      }) : () -> ()
      "tpu.region"() ({
        %run_scoped3A = tpu.sem_alloc : memref<!tpu.dma_semaphore, #tpu.memory_space<semaphore_mem>>
        %dma_start3A = arith.constant 0 : i32
        %dma_start3A_103 = tpu.memref_slice %arg13[%add3A, %dma_start3A] : memref<4x128xf32, #tpu.memory_space<hbm>> -> memref<1x128xf32, #tpu.memory_space<hbm>>
        %dma_start3A_104 = tpu.memref_squeeze %dma_start3A_103 : memref<1x128xf32, #tpu.memory_space<hbm>> -> memref<128xf32, #tpu.memory_space<hbm>>
        %dma_start3A_105 = arith.constant 0 : i32
        %dma_start3A_106 = tpu.memref_slice %arg13[%add3A, %dma_start3A_105] : memref<4x128xf32, #tpu.memory_space<hbm>> -> memref<1x128xf32, #tpu.memory_space<hbm>>
        %dma_start3A_107 = tpu.memref_squeeze %dma_start3A_106 : memref<1x128xf32, #tpu.memory_space<hbm>> -> memref<128xf32, #tpu.memory_space<hbm>>
        tpu.enqueue_dma source(%arg31 : memref<128xf32, #tpu.memory_space<vmem>>) target(%dma_start3A_107 : memref<128xf32, #tpu.memory_space<hbm>>) target_semaphore(%run_scoped3A : memref<!tpu.dma_semaphore, #tpu.memory_space<semaphore_mem>>)
        %dma_wait3A = arith.constant 0 : i32
        %dma_wait3A_108 = tpu.memref_slice %arg13[%add3A, %dma_wait3A] : memref<4x128xf32, #tpu.memory_space<hbm>> -> memref<1x128xf32, #tpu.memory_space<hbm>>
        %dma_wait3A_109 = tpu.memref_squeeze %dma_wait3A_108 : memref<1x128xf32, #tpu.memory_space<hbm>> -> memref<128xf32, #tpu.memory_space<hbm>>
        %dma_wait3A_110 = arith.constant 0 : i32
        %dma_wait3A_111 = tpu.memref_slice %arg13[%add3A, %dma_wait3A_110] : memref<4x128xf32, #tpu.memory_space<hbm>> -> memref<1x128xf32, #tpu.memory_space<hbm>>
        %dma_wait3A_112 = tpu.memref_squeeze %dma_wait3A_111 : memref<1x128xf32, #tpu.memory_space<hbm>> -> memref<128xf32, #tpu.memory_space<hbm>>
        tpu.wait_dma2 semaphore(%run_scoped3A : memref<!tpu.dma_semaphore, #tpu.memory_space<semaphore_mem>>) src(%arg31 : memref<128xf32, #tpu.memory_space<vmem>>) dst(%dma_wait3A_112 : memref<128xf32, #tpu.memory_space<hbm>>)
        tpu.yield
      }) : () -> ()
      "tpu.region"() ({
        %run_scoped3A = tpu.sem_alloc : memref<!tpu.dma_semaphore, #tpu.memory_space<semaphore_mem>>
        %dma_start3A = arith.constant 0 : i32
        %dma_start3A_103 = tpu.memref_slice %arg14[%add3A, %dma_start3A] : memref<4x128xi32, #tpu.memory_space<hbm>> -> memref<1x128xi32, #tpu.memory_space<hbm>>
        %dma_start3A_104 = tpu.memref_squeeze %dma_start3A_103 : memref<1x128xi32, #tpu.memory_space<hbm>> -> memref<128xi32, #tpu.memory_space<hbm>>
        %dma_start3A_105 = arith.constant 0 : i32
        %dma_start3A_106 = tpu.memref_slice %arg14[%add3A, %dma_start3A_105] : memref<4x128xi32, #tpu.memory_space<hbm>> -> memref<1x128xi32, #tpu.memory_space<hbm>>
        %dma_start3A_107 = tpu.memref_squeeze %dma_start3A_106 : memref<1x128xi32, #tpu.memory_space<hbm>> -> memref<128xi32, #tpu.memory_space<hbm>>
        tpu.enqueue_dma source(%arg32 : memref<128xi32, #tpu.memory_space<vmem>>) target(%dma_start3A_107 : memref<128xi32, #tpu.memory_space<hbm>>) target_semaphore(%run_scoped3A : memref<!tpu.dma_semaphore, #tpu.memory_space<semaphore_mem>>)
        %dma_wait3A = arith.constant 0 : i32
        %dma_wait3A_108 = tpu.memref_slice %arg14[%add3A, %dma_wait3A] : memref<4x128xi32, #tpu.memory_space<hbm>> -> memref<1x128xi32, #tpu.memory_space<hbm>>
        %dma_wait3A_109 = tpu.memref_squeeze %dma_wait3A_108 : memref<1x128xi32, #tpu.memory_space<hbm>> -> memref<128xi32, #tpu.memory_space<hbm>>
        %dma_wait3A_110 = arith.constant 0 : i32
        %dma_wait3A_111 = tpu.memref_slice %arg14[%add3A, %dma_wait3A_110] : memref<4x128xi32, #tpu.memory_space<hbm>> -> memref<1x128xi32, #tpu.memory_space<hbm>>
        %dma_wait3A_112 = tpu.memref_squeeze %dma_wait3A_111 : memref<1x128xi32, #tpu.memory_space<hbm>> -> memref<128xi32, #tpu.memory_space<hbm>>
        tpu.wait_dma2 semaphore(%run_scoped3A : memref<!tpu.dma_semaphore, #tpu.memory_space<semaphore_mem>>) src(%arg32 : memref<128xi32, #tpu.memory_space<vmem>>) dst(%dma_wait3A_112 : memref<128xi32, #tpu.memory_space<hbm>>)
        tpu.yield
      }) : () -> ()
      "tpu.region"() ({
        %run_scoped3A = tpu.sem_alloc : memref<!tpu.dma_semaphore, #tpu.memory_space<semaphore_mem>>
        %dma_start3A = arith.constant 0 : i32
        %dma_start3A_103 = tpu.memref_slice %arg15[%add3A, %dma_start3A] : memref<4x16xi32, #tpu.memory_space<hbm>> -> memref<1x16xi32, #tpu.memory_space<hbm>>
        %dma_start3A_104 = tpu.memref_squeeze %dma_start3A_103 : memref<1x16xi32, #tpu.memory_space<hbm>> -> memref<16xi32, #tpu.memory_space<hbm>>
        %dma_start3A_105 = arith.constant 0 : i32
        %dma_start3A_106 = tpu.memref_slice %arg15[%add3A, %dma_start3A_105] : memref<4x16xi32, #tpu.memory_space<hbm>> -> memref<1x16xi32, #tpu.memory_space<hbm>>
        %dma_start3A_107 = tpu.memref_squeeze %dma_start3A_106 : memref<1x16xi32, #tpu.memory_space<hbm>> -> memref<16xi32, #tpu.memory_space<hbm>>
        tpu.enqueue_dma source(%arg33 : memref<16xi32, #tpu.memory_space<vmem>>) target(%dma_start3A_107 : memref<16xi32, #tpu.memory_space<hbm>>) target_semaphore(%run_scoped3A : memref<!tpu.dma_semaphore, #tpu.memory_space<semaphore_mem>>)
        %dma_wait3A = arith.constant 0 : i32
        %dma_wait3A_108 = tpu.memref_slice %arg15[%add3A, %dma_wait3A] : memref<4x16xi32, #tpu.memory_space<hbm>> -> memref<1x16xi32, #tpu.memory_space<hbm>>
        %dma_wait3A_109 = tpu.memref_squeeze %dma_wait3A_108 : memref<1x16xi32, #tpu.memory_space<hbm>> -> memref<16xi32, #tpu.memory_space<hbm>>
        %dma_wait3A_110 = arith.constant 0 : i32
        %dma_wait3A_111 = tpu.memref_slice %arg15[%add3A, %dma_wait3A_110] : memref<4x16xi32, #tpu.memory_space<hbm>> -> memref<1x16xi32, #tpu.memory_space<hbm>>
        %dma_wait3A_112 = tpu.memref_squeeze %dma_wait3A_111 : memref<1x16xi32, #tpu.memory_space<hbm>> -> memref<16xi32, #tpu.memory_space<hbm>>
        tpu.wait_dma2 semaphore(%run_scoped3A : memref<!tpu.dma_semaphore, #tpu.memory_space<semaphore_mem>>) src(%arg33 : memref<16xi32, #tpu.memory_space<vmem>>) dst(%dma_wait3A_112 : memref<16xi32, #tpu.memory_space<hbm>>)
        tpu.yield
      }) : () -> ()
    } else {
    }
    return
  }
}

</mosaic_0001>

<sc_bundles>
// kernel: kernel.3.cloned.1.call-start
scs
__scs_entry_jumppad:
0x0: {  	(pc) =	sbr.rel $0x88, $3  }
0x1: {  	(tag) =	ssettag $0x0;
	lr =	simm.s32 $0x1  }
0x2: {  	[smem:$0x3F9E] =	sst lr;
	_ =	strace $0xD0000000  }
0x3: {  	_ = 	snop  }
0x4: {  	_ = 	snop  }
0x5: {  	_ = 	snop  }
0x6: {  	_ = 	snop  }
0x7: {  	_ = 	snop  }
__scs_overlays_trampoline_lowered:
0x8: {  	[smem:$0x3FAD] =	sst s0  }
0x9: {  	[smem:$0x3FAE] =	sst s1  }
0xa: {  	[smem:$0x3FAF] =	sst s2  }
0xb: {  	[smem:$0x3FB0] =	sst s3  }
0xc: {  	[smem:$0x3FB1] =	sst s4  }
0xd: {  	[smem:$0x3FB2] =	sst s5  }
0xe: {  	[smem:$0x3FB3] =	sst s6  }
0xf: {  	[smem:$0x3FB4] =	sst s7  }
0x10: {  	[smem:$0x3FB5] =	sst s8  }
0x11: {  	[smem:$0x3FB6] =	sst s9;
	s0 =	simm.s32 @!p0 $0x0  }
0x12: {  	s1 =	sld [smem:$0x3F9C];
	s0 =	simm.s32 @p0 $0x1  }
0x13: {  	[smem:$0x3FB7] =	sst s0;
	s0 =	simm.s32 @!p1 $0x0  }
0x14: {  	s2 =	sld [smem:$0x3F9B];
	s0 =	simm.s32 @p1 $0x1  }
0x15: {  	[smem:$0x3FB8] =	sst s0;
	s0 =	simm.s32 @!p2 $0x0  }
0x16: {  	s3 =	sld [smem:$0x3FDB];
	s0 =	simm.s32 @p2 $0x1  }
0x17: {  	s4 =	simm.s32 $0x1BF5;
	[smem:$0x3FBA] =	sst s0  }
0x18: {  	s0 =	sld [smem:$0x3F9D];
	_ =	swait.ge [sflag:s4], $0x0  }
0x19: {  	s7 =	sld [smem:$0x3F9E]  }
0x1a: {  	s8 =	sadd.s32 $0xFFFFE003, lr  }
0x1b: {  	s9 =	sadd.s32 $0xFFFFFEF7, lr;
	s5 =	simm.s32 $0xFFFFFFFF;
	p2 =	slt.u32 s8, $0xFFFFF086  }
0x1c: {  	p1 =	slt.u32 s9, $0xF7A;
	s5 =	simm.s32 @!p2 $0x0  }
0x1d: {  	s5 =	simm.s32 @p1 $0x1;
	p0 =	seq.s32 s7, s2  }
0x1e: {  	s7 =	smul.u32 @!p0 $0xF7A, s2;
	p2 =	seq.s32 @!p0 s5, $0x0  }
0x1f: {  	s9 =	smul.u32 $0xF7A, s1;
	s8 =	simm.s32 @!p0 $0x1BF5;
	p2 =	por !p2, p0  }
0x20: {  	[sflag:s8] =	ssyncset.s32 @!p0 $0xFFFFF086;
	s6 =	sadd.s32 @!p0 s3, s7;
	s7 =	simm.s32 @!p0 $0x108  }
0x21: {  	s3 =	sadd.s32 s3, s9;
	s6 =	sadd.s32 @!p0 $0x88, s6;
	s7 =	simm.s32 @p2 $0x1082  }
0x22: {  	[simem:s7], [sflag:s8] =	dma.local @!p0 [hbm:s6], $0xF7A  }
0x23: {  	s9 =	sor.u32 $0xD0000000, s2;
	s6 =	simm.s32 $0x108;
	_ =	swait.ge @!p0 [sflag:s8], $0x0  }
0x24: {  	s3 =	sadd.s32 $0x88, s3;
	s6 =	simm.s32 @!p1 $0x1082;
	[sflag:s4] =	ssyncset.s32 $0xFFFFF086  }
0x25: {  	[simem:s6], [sflag:s4] =	dma.local [hbm:s3], $0xF7A  }
0x26: {  	[smem:$0x3F9E] =	sst s1;
	(tag) =	ssettag s2;
	_ =	strace s9  }
0x27: {  	s1 =	sld [smem:$0x3FAE]  }
0x28: {  	s2 =	sld [smem:$0x3FAF]  }
0x29: {  	s4 =	sld [smem:$0x3FB1]  }
0x2a: {  	p0 =	seq.s32 s5, $0x0;
	s5 =	sld [smem:$0x3FB2]  }
0x2b: {  	s6 =	sld [smem:$0x3FB3]  }
0x2c: {  	s7 =	sld [smem:$0x3FB4]  }
0x2d: {  	s3 =	simm.s32 $0x108;
	s8 =	sld [smem:$0x3FB5]  }
0x2e: {  	s3 =	simm.s32 @!p0 $0x1082;
	s9 =	sld [smem:$0x3FB6]  }
0x2f: {  	lr =	sadd.s32 s0, s3;
	s0 =	sld [smem:$0x3FAD]  }
0x30: {  	s3 =	sld [smem:$0x3FB0]  }
0x31: {  	[smem:$0x3FB9] =	sst s10  }
0x32: {  	s10 =	sld [smem:$0x3FB7];
	_ =	sdelay $0x3  }
0x33: {  	p0 =	seq.s32 s10, $0x1;
	s10 =	sld [smem:$0x3FB9];
	_ =	sdelay $0x3  }
0x34: {  	[smem:$0x3FB9] =	sst s10  }
0x35: {  	s10 =	sld [smem:$0x3FB8];
	_ =	sdelay $0x3  }
0x36: {  	p1 =	seq.s32 s10, $0x1;
	s10 =	sld [smem:$0x3FB9];
	_ =	sdelay $0x3  }
0x37: {  	[smem:$0x3FB9] =	sst s10  }
0x38: {  	s10 =	sld [smem:$0x3FBA]  }
0x39: {  	_ = 	snop;
	(pc) =	sbr.ind lr, $3  }
0x3a: {  	_ = 	snop  }
0x3b: {  	_ = 	snop  }
0x3c: {  	p2 =	seq.s32 s10, $0x1;
	s10 =	sld [smem:$0x3FB9]  }
0x3d: {  	_ =	shalt  }
0x3e: {  	_ =	shalt  }
0x3f: {  	_ =	shalt  }
0x40: {  	_ =	shalt  }
0x41: {  	_ =	shalt  }
0x42: {  	_ =	shalt  }
0x43: {  	_ =	shalt  }
0x44: {  	_ =	shalt  }
0x45: {  	_ =	shalt  }
0x46: {  	_ =	shalt  }
0x47: {  	_ =	shalt  }
0x48: {  	_ =	shalt  }
0x49: {  	_ =	shalt  }
0x4a: {  	_ =	shalt  }
0x4b: {  	_ =	shalt  }
0x4c: {  	_ =	shalt  }
0x4d: {  	_ =	shalt  }
0x4e: {  	_ =	shalt  }
0x4f: {  	_ =	shalt  }
0x50: {  	_ =	shalt  }
0x51: {  	_ =	shalt  }
0x52: {  	_ =	shalt  }
0x53: {  	_ =	shalt  }
0x54: {  	_ =	shalt  }
0x55: {  	_ =	shalt  }
0x56: {  	_ =	shalt  }
0x57: {  	_ =	shalt  }
0x58: {  	_ =	shalt  }
0x59: {  	_ =	shalt  }
0x5a: {  	_ =	shalt  }
0x5b: {  	_ =	shalt  }
0x5c: {  	_ =	shalt  }
0x5d: {  	_ =	shalt  }
0x5e: {  	_ =	shalt  }
0x5f: {  	_ =	shalt  }
0x60: {  	_ =	shalt  }
0x61: {  	_ =	shalt  }
0x62: {  	_ =	shalt  }
0x63: {  	_ =	shalt  }
0x64: {  	_ =	shalt  }
0x65: {  	_ =	shalt  }
0x66: {  	_ =	shalt  }
0x67: {  	_ =	shalt  }
0x68: {  	_ =	shalt  }
0x69: {  	_ =	shalt  }
0x6a: {  	_ =	shalt  }
0x6b: {  	_ =	shalt  }
0x6c: {  	_ =	shalt  }
0x6d: {  	_ =	shalt  }
0x6e: {  	_ =	shalt  }
0x6f: {  	_ =	shalt  }
0x70: {  	_ =	shalt  }
0x71: {  	_ =	shalt  }
0x72: {  	_ =	shalt  }
0x73: {  	_ =	shalt  }
0x74: {  	_ =	shalt  }
0x75: {  	_ =	shalt  }
0x76: {  	_ =	shalt  }
0x77: {  	_ =	shalt  }
0x78: {  	_ =	shalt  }
0x79: {  	_ =	shalt  }
0x7a: {  	_ =	shalt  }
0x7b: {  	_ =	shalt  }
0x7c: {  	_ =	shalt  }
0x7d: {  	_ =	shalt  }
0x7e: {  	_ =	shalt  }
0x7f: {  	_ =	shalt  }
0x80: {  	_ =	shalt  }
0x81: {  	_ =	shalt  }
0x82: {  	_ =	shalt  }
0x83: {  	_ =	shalt  }
0x84: {  	_ =	shalt  }
0x85: {  	_ =	shalt  }
0x86: {  	_ =	shalt  }
0x87: {  	_ =	shalt  }
.Lfunc_end0:
.L_simem_size_0:
called_computation_lowered:
.L_overlay_start_0:
0x88: {  	s2 =	sld [smem:$0x3FD9]  }
0x89: {  	s3 =	sld [smem:$0x3FFE];
	_ =	sdelay $0x1  }
0x8a: {  	s1 =	srdreg.scid  }
0x8b: {  	s0 =	sand.u32 $0x1, s1  }
0x8c: {  	s14 =	sshll.u32 s0, $0xA;
	s2 =	sadd.s32 s3, s2  }
0x8d: {  	s2 =	sadd.s32 s2, s14  }
0x8e: {  	[smem:$0x3FC5] =	sst s2  }
0x8f: {  	_ = 	snop  }
0x90: {  	s2 =	sld [smem:$0x3FD0];
	_ =	sdelay $0x2  }
0x91: {  	s15 =	simm.s32 $0xA;
	s4 =	simm.s32 $0x10  }
0x92: {  	[smem:s4], [sflag:s15] =	dma.local [hbm:s2], $0x1  }
0x93: {  	_ =	swait.eq [sflag:s15], $0x1  }
0x94: {  	s16 =	sld [smem:$0x10]  }
0x95: {  	s17 =	sld [smem:$0x11];
	[sflag:s15] =	ssyncset.done $0x0  }
0x96: {  	s5 =	sld [smem:$0x12];
	[sflag:s15] =	ssyncadd.s32 $0xFFFFFFFF  }
0x97: {  	s18 =	sld [smem:$0x13];
	(tm) =	ssettm $0x1  }
0x98: {  	s6 =	sld [smem:$0x3FFB];
	_ =	sdelay $0x3  }
0x99: {  	_ =	strace s6  }
0x9a: {  	s6 =	sld [smem:$0x3FFC];
	_ =	sdelay $0x3  }
0x9b: {  	_ =	strace s6  }
0x9c: {  	s6 =	sld [smem:$0x3FFD];
	_ =	sdelay $0x3  }
0x9d: {  	_ =	strace s6  }
0x9e: {  	_ =	strace $0x8FFFFFFF  }
0x9f: {  	s19 =	sld [smem:$0x3FDB];
	_ =	sdelay $0x1  }
0xa0: {  	s7 =	simm.s32 $_scs_section_size  }
0xa1: {  	s8 =	simm.s32 $_size__tile_overlayer_lowered;
	s9 =	simm.s32 $_tile_overlayer_lowered  }
0xa2: {  	s22 =	simm.s32 $0x1BFF;
	s21 =	sshll.u32 s9, $0x1;
	s6 =	sadd.s32 s7, s19  }
0xa3: {  	s10 =	simm.s32 $0x0;
	s20 =	sshll.u32 s8, $0x1;
	s8 =	sadd.s32 s21, s6  }
0xa4: {  	[timem:s10], [sflag:s22] =	dma.local [hbm:s8], s20  }
0xa5: {  	_ =	swait.ge [sflag:s22], s20  }
0xa6: {  	s7 =	ssub.s32 $0x0, s20;
	[sflag:s22] =	ssyncset.done $0x0  }
0xa7: {  	[sflag:s22] =	ssyncadd.s32 s7;
	_ =	sdelay $0x1  }
0xa8: {  	s23 =	simm.s32 $0x1B8B  }
0xa9: {  	_ =	swait.ge [sflag:s23], $0x1  }
0xaa: {  	[sflag:s23] =	ssyncset.done $0x0  }
0xab: {  	s25 =	simm.s32 $0x1B8E;
	s24 =	sld [smem:$0x3FFE];
	[sflag:s23] =	ssyncadd.s32 $0xFFFFFFFF  }
0xac: {  	s26 =	simm.s32 $execute0_lowered;
	[smem:$0x3FD2] =	sst s25  }
0xad: {  	s8 =	sshll.u32 s26, $0x1;
	_ =	strace $0x80000046;
	[dreg:$0x1] =	wrdreg $0xFFFFFFFF  }
0xae: {  	s28 =	simm.s32 $_size_execute0_lowered;
	s6 =	sadd.s32 s6, s8;
	[dreg:$0x0] =	wrdreg $0x0  }
0xaf: {  	s8 =	sshll.u32 s28, $0x1;
	[dreg:$0x2] =	wrdreg s6  }
0xb0: {  	[dreg:$0x3] =	wrdreg s8  }
0xb1: {  	[dreg:$0x4] =	wrdreg $0xC0  }
0xb2: {  	_ =	task [dreg:s10], $0x5FFFF  }
0xb3: {  	[dreg:$0x1] =	wrdreg $0xFFFFFFFF  }
0xb4: {  	[dreg:$0x0] =	wrdreg $0x60  }
0xb5: {  	[dreg:$0x2] =	wrdreg s24  }
0xb6: {  	[dreg:$0x3] =	wrdreg s16  }
0xb7: {  	[dreg:$0x4] =	wrdreg s17  }
0xb8: {  	[dreg:$0x5] =	wrdreg s5  }
0xb9: {  	[dreg:$0x6] =	wrdreg s18  }
0xba: {  	[dreg:$0x7] =	wrdreg $0x4E800  }
0xbb: {  	[dreg:$0x8] =	wrdreg $0x9  }
0xbc: {  	_ =	task.clear_ibuf [dreg:s10], $0x9FFFF;
	_ =	strace $0x90000046  }
0xbd: {  	s29 =	simm.s32 $0x9;
	_ =	strace $0x80000048  }
0xbe: {  	_ =	swait.ge [sflag:s29], $0x1  }
0xbf: {  	[sflag:s29] =	ssyncadd.s32 $0xFFFFFFFF  }
0xc0: {  	_ =	strace $0x90000048  }
0xc1: {  	_ =	sfence  }
0xc2: {  	s30 =	sld [smem:$0x0];
	_ =	sdelay $0x2  }
0xc3: {  	s31 =	sshll.u32 s1, $0xD;
	s1 =	sshrl.u32 s1, $0x2  }
0xc4: {  	s3 =	sand.u32 $0x4000, s31;
	s1 =	sadd.s32 s1, s30  }
0xc5: {  	s0 =	sor.u32 s3, s0;
	s1 =	sshll.u32 s1, $0x11  }
0xc6: {  	s0 =	sor.u32 s1, s0  }
0xc7: {  	s0 =	sadd.s32 $0x8F2B, s0  }
0xc8: {  	[sflag:s0] =	ssyncadd.remote.s32 $0x1  }
0xc9: {  	_ =	sfence.sel $0xFFFF  }
0xca: {  	[dreg:$0x0] =	wrdreg $0xFFFFFFFF;
	(pc) =	sbr.abs _section_cstart, $3  }
0xcb: {  	[dreg:$0x1] =	wrdreg $0xFFFFFFFF  }
0xcc: {  	_ =	task.clear_ibuf [dreg:s10], $0x2FFFF;
	_ =	strace $0x9FFFFFFF  }
0xcd: {  	(tm) =	ssettm $0x7FFFFFFF  }
tec
execute0_lowered:
.L_overlay_start_1:
0x0: {  	(tag) =	ssettag $0x1  }
0x1: {  	s0 =	rddreg [dreg:$0x0]  }
0x2: {  	s3 =	rddreg [dreg:$0x1]  }
0x3: {  	s6 =	rddreg [dreg:$0x2]  }
0x4: {  	s7 =	rddreg [dreg:$0x3]  }
0x5: {  	s8 =	rddreg [dreg:$0x4]  }
0x6: {  	s2 =	rddreg [dreg:$0x5];
	s12 =	simm.s32 $0x0;
	s4 =	srdreg.scid  }
0x7: {  	s1 =	stileid.u32;
	s28 =	simm.s32 $0x1E00;
	s29 =	simm.s32 $0x2800  }
0x8: {  	s30 =	simm.s32 $0x3C00;
	s4 =	sand.u32 $0x1, s4;
	s5 =	sand.u32 $0x7, s1  }
0x9: {  	s9 =	sshll.u32 s1, $0x4;
	[smem:$0x7FF] =	sst s12;
	s18 =	sshll.u32 s1, $0x7  }
0xa: {  	s10 =	sshll.u32 s4, $0x8;
	s9 =	sand.u32 $0x80, s9;
	s11 =	smul.u32 $0x2800, s5  }
0xb: {  	_ =	strace $0x80000047;
	s12 =	sadd.s32 s18, s2;
	s9 =	sor.u32 s10, s9  }
0xc: {  	s20 =	sadd.s32 $0x2000, s12;
	s10 =	sor.u32 s11, s9;
	s9 =	sshrl.u32 s9, $0x3  }
0xd: {  	s4 =	ssub.s32 $0x2, s4;
	[dreg:$0xd] =	wrdreg s20;
	s3 =	sadd.s32 s3, s9  }
0xe: {  	s14 =	sshrl.u32 s4, $0x1;
	s21 =	sadd.s32 s6, s9;
	[dreg:$0xe] =	wrdreg s3  }
0xf: {  	s11 =	ssub.s32 s4, s14;
	s22 =	sadd.s32 s7, s9;
	[dreg:$0xf] =	wrdreg s21  }
0x10: {  	s10 =	sshrl.u32 s10, $0x3;
	s26 =	sadd.s32 s8, s9;
	[dreg:$0x10] =	wrdreg s22  }
0x11: {  	s31 =	smax.u32 s11, $0x1;
	s10 =	sadd.s32 s10, s0;
	[dreg:$0x14] =	wrdreg s26  }
0x12: {  	s5 =	smul.u32 $0xA00, s5;
	[dreg:$0x16] =	wrdreg s31;
	s15 =	sadd.s32 $0xAE00, s10  }
0x13: {  	s18 =	simm.s32 $0x4980;
	s16 =	sadd.s32 $0x8600, s10;
	[dreg:$0x7] =	wrdreg s15  }
0x14: {  	s4 =	sand.u32 $0x8, s1;
	s17 =	sadd.s32 $0x3600, s10;
	[dreg:$0x8] =	wrdreg s16  }
0x15: {  	s20 =	simm.s32 $0x1;
	s13 =	sadd.s32 $0x5E00, s10;
	[dreg:$0x9] =	wrdreg s17  }
0x16: {  	p0 =	sne.s32 s1, s4;
	s19 =	sadd.s32 $0xE00, s10;
	[dreg:$0xa] =	wrdreg s13  }
0x17: {  	s0 =	sadd.s32 s9, s0;
	s10 =	sadd.s32 $0xD600, s10;
	[dreg:$0xb] =	wrdreg s19  }
0x18: {  	s1 =	simm.s32 $0x0;
	s23 =	sadd.s32 $0xFE00, s0;
	[dreg:$0xc] =	wrdreg s10  }
.Ltmp0:
0x19: {  	s24 =	sadd.s32 $0x10000, s0;
	[dreg:$0x11] =	wrdreg s23;
	(pc) =	sbr.rel .LBB2_1-.Ltmp0, $4  }
0x1a: {  	v0 =	vlaneseq.u32;
	s25 =	sadd.s32 $0x10200, s0;
	s0 =	sadd.s32 $0x10400, s0;
	[dreg:$0x12] =	wrdreg s24  }
0x1b: {  	vm0 =	vmmov $0x1;
	vm1 =	vcmask $0x31C;
	vm2 =	vcmask $0xB08;
	s26 =	simm.s32 $0x1400;
	[dreg:$0x15] =	wrdreg s0;
	s0 =	simm.s32 @!p0 $0x0  }
0x1c: {  	vm3 =	vcmask $0xF08;
	vm4 =	vcmask $0x1308;
	vm5 =	vcmask $0x171C;
	[dreg:$0x13] =	wrdreg s25;
	s24 =	simm.s32 $0x2;
	s0 =	simm.s32 @p0 $0x1  }
0x1d: {  	vm2 =	vmor vm1, vm2;
	vm3 =	vmor vm1, vm3;
	vm4 =	vmor vm1, vm4;
	s25 =	simm.s32 $0xA00;
	s19 =	simm.s32 $0x4A00;
	[smem:$0x7FD] =	sst s0  }
.LBB2_6:
0x1e: {  	s0 =	simm.s32 $0x1  }
0x1f: {  	s0 =	simm.s32 @!p3 $0x0  }
0x20: {  	s0 =	sadd.s32 s0, s3  }
0x21: {  	v1 =	vmov s0  }
0x22: {  	s6 =	simm.s32 $0x0;
	s1 =	rddreg [dreg:$0xe];
	s7 =	simm.s32 $0x4A80;
	[tilespmem:$0x4E00] =	vst v1  }
0x23: {  	[hbm4b:s1+s6] =	stream.linear.scatter [tilespmem:s7], [sflag:$0x2], $0x80, $0x38;
	[tilespmem:$0x4EE0] =	vst v63  }
0x24: {  	_ =	swait.ge [sflag:s24], $0x80  }
0x25: {  	[sflag:s24] =	ssyncset.done $0x0  }
0x26: {  	s9 =	simm.s32 $0x4B00;
	s8 =	rddreg [dreg:$0xf];
	[sflag:s24] =	ssyncadd.s32 $0xFFFFFF80  }
0x27: {  	[hbm4b:s8+s6] =	stream.linear.scatter [tilespmem:s9], [sflag:$0x2], $0x80, $0x38;
	[tilespmem:$0x4EE0] =	vst v63  }
0x28: {  	_ =	swait.ge [sflag:s24], $0x80  }
0x29: {  	[sflag:s24] =	ssyncset.done $0x0  }
0x2a: {  	s11 =	simm.s32 $0x4B80;
	s10 =	rddreg [dreg:$0x10];
	[sflag:s24] =	ssyncadd.s32 $0xFFFFFF80  }
0x2b: {  	[hbm4b:s10+s6] =	stream.linear.scatter [tilespmem:s11], [sflag:$0x2], $0x80, $0x38;
	[tilespmem:$0x4EE0] =	vst v63  }
0x2c: {  	_ =	swait.ge [sflag:s24], $0x80  }
0x2d: {  	[sflag:s24] =	ssyncset.done $0x0  }
0x2e: {  	s13 =	simm.s32 $0x4C00;
	s12 =	rddreg [dreg:$0x11];
	[sflag:s24] =	ssyncadd.s32 $0xFFFFFF80  }
0x2f: {  	[hbm4b:s12+s6] =	stream.linear.scatter [tilespmem:s13], [sflag:$0x2], $0x80, $0x38;
	[tilespmem:$0x4EE0] =	vst v63  }
0x30: {  	_ =	swait.ge [sflag:s24], $0x80  }
0x31: {  	[sflag:s24] =	ssyncset.done $0x0  }
0x32: {  	s15 =	simm.s32 $0x4C80;
	s14 =	rddreg [dreg:$0x12];
	[sflag:s24] =	ssyncadd.s32 $0xFFFFFF80  }
0x33: {  	[hbm4b:s14+s6] =	stream.linear.scatter [tilespmem:s15], [sflag:$0x2], $0x80, $0x38;
	[tilespmem:$0x4EE0] =	vst v63  }
0x34: {  	_ =	swait.ge [sflag:s24], $0x80  }
0x35: {  	[sflag:s24] =	ssyncset.done $0x0  }
0x36: {  	s17 =	simm.s32 $0x4D00;
	s16 =	rddreg [dreg:$0x13];
	[sflag:s24] =	ssyncadd.s32 $0xFFFFFF80  }
0x37: {  	[hbm4b:s16+s6] =	stream.linear.scatter [tilespmem:s17], [sflag:$0x2], $0x80, $0x38;
	[tilespmem:$0x4EE0] =	vst v63  }
0x38: {  	_ =	swait.ge [sflag:s24], $0x80  }
0x39: {  	[sflag:s24] =	ssyncset.done $0x0  }
0x3a: {  	s22 =	simm.s32 $0x4D80;
	s21 =	rddreg [dreg:$0x14];
	[sflag:s24] =	ssyncadd.s32 $0xFFFFFF80  }
0x3b: {  	[hbm4b:s21+s6] =	stream.linear.scatter [tilespmem:s22], [sflag:$0x2], $0x80, $0x38;
	[tilespmem:$0x4EE0] =	vst v63  }
0x3c: {  	_ =	swait.ge [sflag:s24], $0x80  }
0x3d: {  	[sflag:s24] =	ssyncset.done $0x0  }
0x3e: {  	s31 =	simm.s32 $0x4E00;
	s23 =	rddreg [dreg:$0x15];
	[sflag:s24] =	ssyncadd.s32 $0xFFFFFF80  }
0x3f: {  	[hbm4b:s23+s6] =	stream.linear.scatter [tilespmem:s31], [sflag:$0x2], $0x80, $0x38;
	[tilespmem:$0x4EE0] =	vst v63  }
0x40: {  	_ =	swait.ge [sflag:s24], $0x80  }
0x41: {  	[sflag:s24] =	ssyncset.done $0x0  }
0x42: {  	[sflag:s24] =	ssyncadd.s32 $0xFFFFFF80  }
.LBB2_7:
0x43: {  	s1 =	rddreg [dreg:$0x17]  }
0x44: {  	s0 =	rddreg [dreg:$0x16];
	s1 =	sadd.s32 $0x1, s1  }
0x45: {  	p0 =	sne.s32 s1, s0  }
.Ltmp1:
0x46: {  	_ = 	snop;
	(pc) =	sbr.rel @!p0 .LBB2_8-.Ltmp1, $1  }
0x47: {  	_ =	sdelay $0x3  }
.LBB2_1:
0x48: {  	[dreg:$0x17] =	wrdreg s1;
	s0 =	simm.s32 $0x0  }
0x49: {  	s15 =	rddreg [dreg:$0x7];
	s3 =	simm.s32 $0x80;
	s6 =	simm.s32 $0x200  }
0x4a: {  	[tilespmem:s0], [sflag:$0x2] =	stream.strided.gather [hbm4b:s15+s3], $0xA00, s6, s3, $0x38;
	[tilespmem:$0x4EE0] =	vst v63  }
0x4b: {  	_ =	swait.ge [sflag:s24], $0xA00  }
0x4c: {  	[sflag:s24] =	ssyncset.done $0x0  }
0x4d: {  	s16 =	rddreg [dreg:$0x8];
	[sflag:s24] =	ssyncadd.s32 $0xFFFFF600  }
0x4e: {  	[tilespmem:s25], [sflag:$0x2] =	stream.strided.gather [hbm4b:s16+s3], $0xA00, s6, s3, $0x38;
	[tilespmem:$0x4EE0] =	vst v63  }
0x4f: {  	_ =	swait.ge [sflag:s24], $0xA00  }
0x50: {  	[sflag:s24] =	ssyncset.done $0x0  }
0x51: {  	s17 =	rddreg [dreg:$0x9];
	[sflag:s24] =	ssyncadd.s32 $0xFFFFF600  }
0x52: {  	[tilespmem:s26], [sflag:$0x2] =	stream.strided.gather [hbm4b:s17+s3], $0xA00, s6, s3, $0x38;
	[tilespmem:$0x4EE0] =	vst v63  }
0x53: {  	_ =	swait.ge [sflag:s24], $0xA00  }
0x54: {  	[sflag:s24] =	ssyncset.done $0x0  }
0x55: {  	s21 =	rddreg [dreg:$0xa];
	[sflag:s24] =	ssyncadd.s32 $0xFFFFF600  }
0x56: {  	[tilespmem:s28], [sflag:$0x2] =	stream.strided.gather [hbm4b:s21+s3], $0xA00, s6, s3, $0x38;
	[tilespmem:$0x4EE0] =	vst v63  }
0x57: {  	_ =	swait.ge [sflag:s24], $0xA00  }
0x58: {  	[sflag:s24] =	ssyncset.done $0x0  }
0x59: {  	s22 =	rddreg [dreg:$0xb];
	[sflag:s24] =	ssyncadd.s32 $0xFFFFF600  }
0x5a: {  	[tilespmem:s29], [sflag:$0x2] =	stream.strided.gather [hbm4b:s22+s3], $0xA00, s6, s3, $0x38;
	[tilespmem:$0x4EE0] =	vst v63  }
0x5b: {  	_ =	swait.ge [sflag:s24], $0xA00  }
0x5c: {  	[sflag:s24] =	ssyncset.done $0x0  }
0x5d: {  	s23 =	rddreg [dreg:$0xc];
	[sflag:s24] =	ssyncadd.s32 $0xFFFFF600  }
0x5e: {  	[tilespmem:s30], [sflag:$0x2] =	stream.strided.gather [hbm4b:s23+s3], $0xA00, s6, s3, $0x38;
	[tilespmem:$0x4EE0] =	vst v63  }
0x5f: {  	_ =	swait.ge [sflag:s24], $0xA00  }
0x60: {  	[sflag:s24] =	ssyncset.done $0x0  }
0x61: {  	s31 =	simm.s32 $0x0;
	[sflag:s24] =	ssyncadd.s32 $0xFFFFF600  }
0x62: {  	v1 =	vld [tilespmem:s31+$0x0]  }
0x63: {  	v2 =	vld [tilespmem:s31+$0xA00]  }
0x64: {  	v4 =	vld [tilespmem:s31+$0x1400]  }
0x65: {  	v3 =	vld [tilespmem:s31+$0x1E00]  }
0x66: {  	v5 =	vld [tilespmem:s31+$0x2800]  }
0x67: {  	vm6 =	vgt.f32 v1, $5.000000070e-02  }
0x68: {  	v6 =	vnsel vm6, $0xF149F2CA, v1  }
0x69: {  	s3 =	simm.s32 $0x10;
	[tilespmem:s31+$0x0] =	vst v6  }
0x6a: {  	v8 =	vld [tilespmem:s3+$0x0]  }
0x6b: {  	v5 =	vsub.f32 v5, v4;
	v1 =	vsub.f32 v3, v2;
	v3 =	vld [tilespmem:s3+$0xA00]  }
0x6c: {  	v2 =	vld [tilespmem:s3+$0x1400]  }
0x6d: {  	v7 =	vimm.f32 $-1.000000020e+30;
	v4 =	vld [tilespmem:s3+$0x1E00];
	v9 =	vmul.f32 v5, v1  }
0x6e: {  	v10 =	vimm.s32 $0x0;
	vm6 =	vgt.f32 v6, v7;
	v1 =	vor.u32 s5, v0;
	v5 =	vld [tilespmem:s3+$0x2800]  }
0x6f: {  	s7 =	simm.s32 $0x80;
	s8 =	simm.s32 $0xC0;
	s6 =	smov.u32 s5;
	v7 =	vsel vm6, v6, v7;
	v6 =	vsel vm6, v1, v10;
	[tilespmem:s31+$0x3200] =	vst v9;
	vm6 =	vgt.f32 v8, $5.000000070e-02  }
.LBB2_2:
0x70: {  	p0 =	sne.s32 s8, $0x27C0;
	v9 =	vnsel vm6, $0xF149F2CA, v8;
	s6 =	sadd.s32 $0x10, s6  }
0x71: {  	s9 =	sshra.s32 s7, $0x2;
	s7 =	smov.u32 s8;
	[tilespmem:s3+$0x0] =	vst v9;
	v10 =	vor.u32 s6, v0;
	vm6 =	vgt.f32 v9, v7  }
0x72: {  	v8 =	vld [tilespmem:s9+$0x0];
	v11 =	vsub.f32 v4, v3;
	v7 =	vsel vm6, v9, v7;
	v6 =	vsel vm6, v10, v6  }
.Ltmp2:
0x73: {  	v3 =	vld [tilespmem:s9+$0xA00];
	v5 =	vsub.f32 v5, v2;
	(pc) =	sbr.rel @p0 .LBB2_2-.Ltmp2, $4  }
0x74: {  	v2 =	vld [tilespmem:s9+$0x1400]  }
0x75: {  	v4 =	vld [tilespmem:s9+$0x1E00];
	v9 =	vmul.f32 v5, v11  }
0x76: {  	v5 =	vld [tilespmem:s9+$0x2800]  }
0x77: {  	s8 =	sadd.s32 $0x40, s8;
	vm6 =	vgt.f32 v8, $5.000000070e-02;
	[tilespmem:s3+$0x3200] =	vst v9;
	s3 =	smov.u32 s9  }
0x78: {  	v8 =	vnsel vm6, $0xF149F2CA, v8  }
0x79: {  	s7 =	sshra.s32 s7, $0x2;
	[tilespmem:s3+$0x0] =	vst v8  }
0x7a: {  	v9 =	vld [tilespmem:s7+$0x0];
	_ =	sdelay $0x4  }
0x7b: {  	vm6 =	vgt.f32 v8, v7;
	vm7 =	vgt.f32 v9, $5.000000070e-02  }
0x7c: {  	v7 =	vsel vm6, v8, v7;
	v53 =	vnsel vm7, $0xF149F2CA, v9  }
0x7d: {  	vm7 =	vgt.f32 v53, v7  }
0x7e: {  	v7 =	vsel vm7, v53, v7  }
0x7f: {  	(xrf0) =	vmax.scan.msk.f32 $0xffff, v7;
	_ =	sdelay $0x4  }
0x80: {  	s6 =	sadd.s32 $0x10, s6  }
0x81: {  	v54 =	vor.u32 s6, v0;
	s6 =	sadd.s32 $0x10, s6;
	v10, _, _ =	vpop (xrf0)  }
0x82: {  	v6 =	vsel vm6, v54, v6;
	v55 =	vor.u32 s6, v0;
	v10 =	vbroadcast v10, $0xF  }
0x83: {  	v6 =	vsel vm7, v55, v6  }
0x84: {  	v6 =	vxor.u32 $0x80000000, v6;
	vm6 =	veq.f32 v7, v10  }
0x85: {  	v6 =	vnsel vm6, $0xC0000000, v6  }
0x86: {  	(xrf0) =	vmin.scan.msk.u32 $0xffff, v6;
	_ =	sdelay $0x5  }
0x87: {  	v6, _, _ =	vpop (xrf0)  }
0x88: {  	(v2sf) =	vpush v6, $0xF;
	_ =	sdelay $0xe  }
0x89: {  	v56 =	vld [tilespmem:s7+$0xA00];
	s31 =	spop (v2sf)  }
0x8a: {  	v57 =	vld [tilespmem:s7+$0x1400];
	s6 =	sxor.u32 $0x80000000, s31  }
0x8b: {  	v58 =	vld [tilespmem:s7+$0x1E00];
	s8 =	ssub.s32 s6, s5  }
0x8c: {  	v11 =	vld [tilespmem:s7+$0x2800];
	p0 =	sgt.s32 s8, $0x0  }
0x8d: {  	s8 =	simm.s32 @!p0 $0x0  }
0x8e: {  	s8 =	smin.u32 s8, $0x9FF  }
0x8f: {  	v3 =	vsub.f32 v4, v3;
	v2 =	vsub.f32 v5, v2;
	v12 =	vmov s8  }
0x90: {  	v59 =	vbroadcast v12, $0x0  }
0x91: {  	v2 =	vmul.f32 v2, v3;
	v3 =	vsub.f32 v58, v56;
	v60 =	vsub.f32 v11, v57;
	_ =	sdelay $0x1  }
0x92: {  	[tilespmem:s3+$0x3200] =	vst v2;
	v2 =	vmul.f32 v60, v3  }
0x93: {  	[tilespmem:s7+$0x0] =	vst v53  }
0x94: {  	[tilespmem:s7+$0x3200] =	vst v2  }
0x95: {  	v2 =	vld.idx.msk [tilespmem:v59+s25+$0x0], $0xffff  }
0x96: {  	v3 =	vld.idx.msk [tilespmem:v59+s26+$0x0], $0xffff  }
0x97: {  	v61 =	vld.idx.msk [tilespmem:v59+s28+$0x0], $0xffff  }
0x98: {  	v62 =	vld.idx.msk [tilespmem:v59+s29+$0x0], $0xffff  }
0x99: {  	v63 =	vnsel vm0, $0x0, v10  }
0x9a: {  	v4 =	vld.idx.msk [tilespmem:v59+s30+$0x0], $0xffff;
	v2 =	vsel vm1, v63, v2  }
0x9b: {  	v2 =	vsel vm2, v2, v3  }
0x9c: {  	v2 =	vsel vm3, v2, v61  }
0x9d: {  	vm6 =	veq.s32 v0, $0x1;
	v2 =	vsel vm4, v2, v62  }
0x9e: {  	v2 =	vsel vm6, s6, v2  }
0x9f: {  	v2 =	vsel vm5, v2, v4  }
0xa0: {  	s0 =	rddreg [dreg:$0xd];
	s1 =	simm.s32 $0x4600;
	[tilespmem:$0x4600] =	vst v2  }
0xa1: {  	[spmem:s0] =	stream.linear.scatter [tilespmem:s1], [sflag:$0x2], $0x80, $0x38;
	[tilespmem:$0x4EE0] =	vst v63  }
0xa2: {  	_ =	swait.ge [sflag:s24], $0x80  }
0xa3: {  	[sflag:s24] =	ssyncset.done $0x0  }
0xa4: {  	s22 =	simm.s32 $0x0;
	s3 =	simm.s32 $0x0;
	[sflag:s24] =	ssyncadd.s32 $0xFFFFFF80  }
.LBB2_4:
0xa5: {  	s6 =	sshll.u32 s22, $0x4  }
0xa6: {  	s23 =	sand.u32 $0x10, s6  }
0xa7: {  	s6 =	sor.u32 s4, s23  }
0xa8: {  	s6 =	sshll.u32 s6, $0x7  }
0xa9: {  	s6 =	sadd.s32 s6, s2  }
0xaa: {  	[bflag:$0x0] =	sbarrier.arrive $0xFFFF;
	s0 =	simm.s32 $0x4680;
	s7 =	sadd.s32 $0x2000, s6  }
0xab: {  	[tilespmem:s0], [sflag:$0x1] =	stream.linear.gather [spmem:s7], $0x80, $0x38;
	[tilespmem:$0x4EE0] =	vst v63  }
0xac: {  	s9 =	simm.s32 $0x4700;
	s8 =	sadd.s32 $0x2080, s6  }
0xad: {  	[tilespmem:s9], [sflag:$0x1] =	stream.linear.gather [spmem:s8], $0x80, $0x38;
	[tilespmem:$0x4EE0] =	vst v63  }
0xae: {  	s11 =	simm.s32 $0x4780;
	s10 =	sadd.s32 $0x2100, s6  }
0xaf: {  	[tilespmem:s11], [sflag:$0x1] =	stream.linear.gather [spmem:s10], $0x80, $0x38;
	[tilespmem:$0x4EE0] =	vst v63  }
0xb0: {  	s13 =	simm.s32 $0x4800;
	s12 =	sadd.s32 $0x2180, s6  }
0xb1: {  	[tilespmem:s13], [sflag:$0x1] =	stream.linear.gather [spmem:s12], $0x80, $0x38;
	[tilespmem:$0x4EE0] =	vst v63  }
0xb2: {  	s15 =	simm.s32 $0x4880;
	s14 =	sadd.s32 $0x2200, s6  }
0xb3: {  	[tilespmem:s15], [sflag:$0x1] =	stream.linear.gather [spmem:s14], $0x80, $0x38;
	[tilespmem:$0x4EE0] =	vst v63  }
0xb4: {  	s17 =	simm.s32 $0x4900;
	s16 =	sadd.s32 $0x2280, s6  }
0xb5: {  	[tilespmem:s17], [sflag:$0x1] =	stream.linear.gather [spmem:s16], $0x80, $0x38;
	[tilespmem:$0x4EE0] =	vst v63  }
0xb6: {  	s21 =	sadd.s32 $0x2300, s6  }
0xb7: {  	[tilespmem:s18], [sflag:$0x1] =	stream.linear.gather [spmem:s21], $0x80, $0x38;
	[tilespmem:$0x4EE0] =	vst v63  }
0xb8: {  	s6 =	sadd.s32 $0x2380, s6  }
0xb9: {  	[tilespmem:s19], [sflag:$0x1] =	stream.linear.gather [spmem:s6], $0x80, $0x38;
	[tilespmem:$0x4EE0] =	vst v63  }
0xba: {  	_ =	swait.ge [sflag:s20], $0x80  }
0xbb: {  	[sflag:s20] =	ssyncset.done $0x0  }
0xbc: {  	[sflag:s20] =	ssyncadd.s32 $0xFFFFFF80  }
0xbd: {  	_ =	swait.ge [sflag:s20], $0x80  }
0xbe: {  	[sflag:s20] =	ssyncset.done $0x0  }
0xbf: {  	[sflag:s20] =	ssyncadd.s32 $0xFFFFFF80  }
0xc0: {  	_ =	swait.ge [sflag:s20], $0x80  }
0xc1: {  	[sflag:s20] =	ssyncset.done $0x0  }
0xc2: {  	[sflag:s20] =	ssyncadd.s32 $0xFFFFFF80  }
0xc3: {  	_ =	swait.ge [sflag:s20], $0x80  }
0xc4: {  	[sflag:s20] =	ssyncset.done $0x0  }
0xc5: {  	[sflag:s20] =	ssyncadd.s32 $0xFFFFFF80  }
0xc6: {  	_ =	swait.ge [sflag:s20], $0x80  }
0xc7: {  	[sflag:s20] =	ssyncset.done $0x0  }
0xc8: {  	[sflag:s20] =	ssyncadd.s32 $0xFFFFFF80  }
0xc9: {  	_ =	swait.ge [sflag:s20], $0x80  }
0xca: {  	[sflag:s20] =	ssyncset.done $0x0  }
0xcb: {  	[sflag:s20] =	ssyncadd.s32 $0xFFFFFF80  }
0xcc: {  	_ =	swait.ge [sflag:s20], $0x80  }
0xcd: {  	[sflag:s20] =	ssyncset.done $0x0  }
0xce: {  	[sflag:s20] =	ssyncadd.s32 $0xFFFFFF80  }
0xcf: {  	_ =	swait.ge [sflag:s20], $0x80  }
0xd0: {  	[sflag:s20] =	ssyncset.done $0x0  }
0xd1: {  	[sflag:s20] =	ssyncadd.s32 $0xFFFFFF80  }
0xd2: {  	v2 =	vld [tilespmem:$0x4680];
	_ =	sdelay $0x4  }
0xd3: {  	(v2sf) =	vpush v2, $0x0  }
0xd4: {  	v3 =	vld [tilespmem:$0x4700];
	(v2sf) =	vpush v2, $0x1  }
0xd5: {  	(v2sf) =	vpush v2, $0x2  }
0xd6: {  	(v2sf) =	vpush v2, $0x3  }
0xd7: {  	(v2sf) =	vpush v2, $0x4  }
0xd8: {  	(v2sf) =	vpush v2, $0x5  }
0xd9: {  	(v2sf) =	vpush v3, $0x0  }
0xda: {  	(v2sf) =	vpush v3, $0x1  }
0xdb: {  	v4 =	vld [tilespmem:$0x4780]  }
0xdc: {  	(v2sf) =	vpush v3, $0x2  }
0xdd: {  	(v2sf) =	vpush v3, $0x3  }
0xde: {  	(v2sf) =	vpush v3, $0x4  }
0xdf: {  	(v2sf) =	vpush v3, $0x5  }
0xe0: {  	(v2sf) =	vpush v4, $0x0  }
0xe1: {  	(v2sf) =	vpush v4, $0x1  }
0xe2: {  	s6 =	spop (v2sf)  }
0xe3: {  	v5 =	vld [tilespmem:$0x4800];
	(v2sf) =	vpush v4, $0x2;
	s7 =	spop (v2sf)  }
0xe4: {  	(v2sf) =	vpush v4, $0x3;
	s21 =	spop (v2sf)  }
0xe5: {  	(v2sf) =	vpush v4, $0x4;
	s9 =	spop (v2sf)  }
0xe6: {  	(v2sf) =	vpush v4, $0x5;
	s8 =	spop (v2sf)  }
0xe7: {  	s10 =	spop (v2sf)  }
0xe8: {  	(v2sf) =	vpush v5, $0x0;
	s11 =	spop (v2sf)  }
0xe9: {  	(v2sf) =	vpush v5, $0x1;
	s12 =	spop (v2sf);
	p0 =	seq.f32 s11, s6  }
0xea: {  	v6 =	vld [tilespmem:$0x4880];
	p1 =	slt.s32 s12, s7  }
0xeb: {  	(v2sf) =	vpush v5, $0x2;
	p2 =	sgt.f32 s11, s6;
	s1 =	spop (v2sf);
	p0 =	por !p1, !p0  }
0xec: {  	(v2sf) =	vpush v5, $0x3;
	s31 =	spop (v2sf);
	p0 =	por !p0, !p0  }
0xed: {  	(v2sf) =	vpush v5, $0x4;
	s0 =	spop (v2sf);
	p2 =	por p2, p0  }
0xee: {  	(v2sf) =	vpush v5, $0x5;
	s6 =	smov.u32 @p2 s11;
	s11 =	spop (v2sf)  }
0xef: {  	(v2sf) =	vpush v6, $0x0;
	s7 =	smov.u32 @p2 s12;
	s12 =	spop (v2sf)  }
0xf0: {  	v7 =	vld [tilespmem:$0x4900];
	(v2sf) =	vpush v6, $0x1;
	s13 =	spop (v2sf);
	p1 =	seq.f32 s12, s6  }
0xf1: {  	(v2sf) =	vpush v6, $0x2;
	p4 =	slt.s32 s13, s7  }
0xf2: {  	p3 =	sgt.f32 s12, s6;
	s14 =	spop (v2sf);
	(v2sf) =	vpush v6, $0x3;
	p0 =	por !p1, !p4  }
0xf3: {  	s15 =	spop (v2sf);
	(v2sf) =	vpush v6, $0x4;
	p0 =	por !p0, !p0  }
0xf4: {  	s16 =	spop (v2sf);
	(v2sf) =	vpush v6, $0x5;
	p3 =	por p3, p0  }
0xf5: {  	s6 =	smov.u32 @p3 s12;
	s12 =	spop (v2sf);
	(v2sf) =	vpush v7, $0x0  }
0xf6: {  	s21 =	smov.u32 @p2 s1;
	s9 =	smov.u32 @p2 s31  }
0xf7: {  	s8 =	smov.u32 @p2 s0;
	s7 =	smov.u32 @p3 s13;
	s13 =	spop (v2sf)  }
0xf8: {  	v8 =	vld [tilespmem:$0x4980];
	s31 =	simm.s32 @!p2 $0x0;
	(v2sf) =	vpush v7, $0x1;
	s17 =	spop (v2sf);
	p5 =	seq.f32 s13, s6  }
0xf9: {  	s31 =	simm.s32 @p2 $0x1;
	s10 =	smov.u32 @p2 s11;
	(v2sf) =	vpush v7, $0x2;
	p6 =	slt.s32 s17, s7  }
0xfa: {  	p4 =	sgt.f32 s13, s6;
	s1 =	spop (v2sf);
	(v2sf) =	vpush v7, $0x3;
	p0 =	por !p5, !p6  }
0xfb: {  	[smem:$0x7FB] =	sst s31;
	s0 =	spop (v2sf);
	(v2sf) =	vpush v7, $0x4;
	p0 =	por !p0, !p0  }
0xfc: {  	s21 =	smov.u32 @p3 s14;
	s11 =	spop (v2sf);
	(v2sf) =	vpush v7, $0x5;
	p4 =	por p4, p0  }
0xfd: {  	s9 =	smov.u32 @p3 s15;
	s6 =	smov.u32 @p4 s13;
	s13 =	spop (v2sf);
	(v2sf) =	vpush v8, $0x0  }
0xfe: {  	v9 =	vld [tilespmem:$0x4A00];
	s8 =	smov.u32 @p3 s16;
	s7 =	smov.u32 @p4 s17;
	s17 =	spop (v2sf);
	(v2sf) =	vpush v8, $0x1  }
0xff: {  	s16 =	simm.s32 @!p3 $0x0;
	s31 =	spop (v2sf);
	p2 =	seq.f32 s17, s6;
	(v2sf) =	vpush v8, $0x2  }
0x100: {  	s16 =	simm.s32 @p3 $0x1;
	p6 =	slt.s32 s31, s7;
	s14 =	spop (v2sf);
	(v2sf) =	vpush v8, $0x3  }
0x101: {  	p5 =	sgt.f32 s17, s6;
	p0 =	por !p2, !p6;
	s15 =	spop (v2sf);
	(v2sf) =	vpush v8, $0x4  }
0x102: {  	s10 =	smov.u32 @p3 s12;
	p0 =	por !p0, !p0;
	s12 =	spop (v2sf);
	(v2sf) =	vpush v8, $0x5  }
0x103: {  	[smem:$0x7FC] =	sst s16;
	p5 =	por p5, p0;
	s16 =	spop (v2sf);
	(v2sf) =	vpush v9, $0x0  }
0x104: {  	s6 =	smov.u32 @p5 s17;
	s17 =	spop (v2sf);
	(v2sf) =	vpush v9, $0x1;
	_ =	sdelay $0x1  }
0x105: {  	s21 =	smov.u32 @p4 s1  }
0x106: {  	s7 =	smov.u32 @p5 s31;
	s31 =	spop (v2sf);
	p2 =	seq.f32 s17, s6;
	(v2sf) =	vpush v9, $0x2  }
0x107: {  	s9 =	smov.u32 @p4 s0;
	s1 =	spop (v2sf);
	p3 =	slt.s32 s31, s7;
	(v2sf) =	vpush v9, $0x3  }
0x108: {  	p6 =	sgt.f32 s17, s6;
	p0 =	por !p2, !p3;
	s0 =	spop (v2sf);
	(v2sf) =	vpush v9, $0x4  }
0x109: {  	s8 =	smov.u32 @p4 s11;
	p0 =	por !p0, !p0;
	s11 =	spop (v2sf);
	(v2sf) =	vpush v9, $0x5  }
0x10a: {  	s10 =	smov.u32 @p4 s13;
	p6 =	por p6, p0;
	s13 =	spop (v2sf)  }
0x10b: {  	s21 =	smov.u32 @p5 s14;
	s6 =	smov.u32 @p6 s17;
	s17 =	spop (v2sf)  }
0x10c: {  	s7 =	smov.u32 @p6 s31;
	s31 =	spop (v2sf);
	p1 =	seq.f32 s17, s6  }
0x10d: {  	s9 =	smov.u32 @p5 s15;
	p2 =	slt.s32 s31, s7;
	s14 =	spop (v2sf)  }
0x10e: {  	p3 =	sgt.f32 s17, s6;
	p0 =	por !p1, !p2;
	s15 =	spop (v2sf)  }
0x10f: {  	s8 =	smov.u32 @p5 s12;
	p0 =	por !p0, !p0;
	s12 =	spop (v2sf)  }
0x110: {  	s10 =	smov.u32 @p5 s16;
	p0 =	por p3, p0;
	s16 =	spop (v2sf)  }
0x111: {  	s6 =	smov.u32 @p0 s17;
	s17 =	spop (v2sf)  }
0x112: {  	s7 =	smov.u32 @p0 s31;
	p2 =	seq.f32 s17, s6;
	s31 =	spop (v2sf)  }
0x113: {  	s21 =	smov.u32 @p6 s1;
	p3 =	slt.s32 s31, s7  }
0x114: {  	s9 =	smov.u32 @p6 s0;
	p1 =	por !p2, !p3;
	p3 =	sgt.f32 s17, s6  }
0x115: {  	s8 =	smov.u32 @p6 s11;
	s0 =	spop (v2sf);
	p1 =	por !p1, !p1  }
0x116: {  	s21 =	smov.u32 @p0 s14;
	s1 =	spop (v2sf);
	p1 =	por p3, p1  }
0x117: {  	s8 =	smov.u32 @p0 s12;
	s21 =	smov.u32 @p1 s0;
	s0 =	spop (v2sf)  }
0x118: {  	s8 =	smov.u32 @p1 s0;
	s0 =	spop (v2sf)  }
0x119: {  	[bflag:$0x0] =	sbarrier.arrive $0xFFFF  }
0x11a: {  	s7 =	smov.u32 @p1 s31;
	s31 =	sld [smem:$0x7FD];
	_ =	sdelay $0x2  }
0x11b: {  	p2 =	seq.s32 s31, $0x1  }
.Ltmp3:
0x11c: {  	_ = 	snop;
	(pc) =	sbr.rel @p2 .LBB2_9-.Ltmp3, $4  }
0x11d: {  	_ = 	snop  }
0x11e: {  	s10 =	smov.u32 @p6 s13  }
0x11f: {  	s9 =	smov.u32 @p0 s15;
	s10 =	smov.u32 @p0 s16;
	s6 =	smov.u32 @p1 s17  }
0x120: {  	s9 =	smov.u32 @p1 s1;
	p3 =	sgt.f32 s6, $-5.000000080e+29;
	s10 =	smov.u32 @p1 s0  }
0x121: {  	(v2sf) =	vpush v9, $0x6  }
0x122: {  	(v2sf) =	vpush v8, $0x6  }
0x123: {  	(v2sf) =	vpush v7, $0x6  }
0x124: {  	(v2sf) =	vpush v6, $0x6  }
0x125: {  	(v2sf) =	vpush v5, $0x6  }
0x126: {  	(v2sf) =	vpush v4, $0x6  }
0x127: {  	(v2sf) =	vpush v3, $0x6  }
0x128: {  	(v2sf) =	vpush v2, $0x6;
	_ =	sdelay $0x7  }
0x129: {  	s0 =	spop (v2sf)  }
0x12a: {  	s1 =	spop (v2sf)  }
0x12b: {  	s11 =	spop (v2sf)  }
0x12c: {  	s12 =	spop (v2sf)  }
0x12d: {  	s17 =	sld [smem:$0x7FB];
	s13 =	spop (v2sf)  }
0x12e: {  	s31 =	sld [smem:$0x7FC];
	s14 =	spop (v2sf)  }
0x12f: {  	s15 =	spop (v2sf)  }
0x130: {  	p2 =	seq.s32 s17, $0x1;
	v2 =	vmov s22;
	s16 =	spop (v2sf)  }
0x131: {  	s6 =	simm.s32 @!p3 $0x0;
	s16 =	smov.u32 @p2 s15;
	p2 =	seq.s32 s31, $0x1  }
0x132: {  	s15 =	smov.u32 s7;
	s31 =	simm.s32 $0x4A80;
	s16 =	smov.u32 @p2 s14  }
0x133: {  	s15 =	simm.s32 @!p3 $0xFFFFFFFF;
	s14 =	simm.s32 $0x4C00;
	s16 =	smov.u32 @p4 s13  }
0x134: {  	v3 =	vmov s15;
	s13 =	smov.u32 s21;
	s15 =	simm.s32 $0x4C80;
	s16 =	smov.u32 @p5 s12  }
0x135: {  	[tilespmem:v2+s31+$0x0] =	vst.idx.msk $0x1, v3;
	v3 =	vmov s6;
	s13 =	simm.s32 @!p3 $0x0;
	s6 =	smov.u32 s9;
	s12 =	simm.s32 $0x4B00  }
0x136: {  	s16 =	smov.u32 @p6 s11;
	s6 =	simm.s32 @!p3 $0x0;
	s11 =	smov.u32 s8  }
0x137: {  	[tilespmem:v2+s12+$0x0] =	vst.idx.msk $0x1, v3;
	v3 =	vmov s13;
	s13 =	simm.s32 $0x4B80;
	s16 =	smov.u32 @p0 s1;
	p0 =	seq.s32 s22, $0x63  }
.Ltmp4:
0x138: {  	[tilespmem:v2+s13+$0x0] =	vst.idx.msk $0x1, v3;
	v3 =	vmov s6;
	s11 =	simm.s32 @!p3 $0x0;
	s1 =	smov.u32 s10;
	(pc) =	sbr.rel @!p0 .LBB2_10-.Ltmp4, $4  }
.Ltmp5:
0x139: {  	s16 =	smov.u32 @p1 s0;
	[tilespmem:v2+s14+$0x0] =	vst.idx.msk $0x1, v3;
	v3 =	vmov s11;
	s1 =	simm.s32 @!p3 $0x0;
	(pc) =	sbr.rel @p0 .LBB2_6-.Ltmp5, $4  }
0x13a: {  	s17 =	simm.s32 $0x4D00;
	[tilespmem:v2+s15+$0x0] =	vst.idx.msk $0x1, v3;
	v3 =	vmov s1;
	s16 =	simm.s32 @!p3 $0xFFFFFFFF  }
0x13b: {  	s31 =	simm.s32 $0x4D80;
	[tilespmem:v2+s17+$0x0] =	vst.idx.msk $0x1, v3;
	v3 =	vmov s16  }
0x13c: {  	[tilespmem:v2+s31+$0x0] =	vst.idx.msk $0x1, v3  }
0x13d: {  	_ = 	snop  }
.LBB2_9:
0x13e: {  	p0 =	seq.s32 s22, $0x63  }
.Ltmp6:
0x13f: {  	_ = 	snop;
	(pc) =	sbr.rel @p0 .LBB2_7-.Ltmp6, $1  }
0x140: {  	_ =	sdelay $0x3  }
.LBB2_10:
0x141: {  	s6 =	simm.s32 $0x0  }
0x142: {  	v2 =	vld [tilespmem:s6+$0x3230]  }
0x143: {  	v8 =	vld [tilespmem:s6+$0x3220]  }
0x144: {  	v9 =	vld [tilespmem:s6+$0x3210]  }
0x145: {  	v10 =	vld [tilespmem:s6+$0xA30]  }
0x146: {  	v11 =	vld [tilespmem:s6+$0x1430]  }
0x147: {  	v12 =	vld [tilespmem:s6+$0x1E30]  }
0x148: {  	v13 =	vld [tilespmem:s6+$0x2830]  }
0x149: {  	v14 =	vld [tilespmem:s6+$0x3200]  }
0x14a: {  	v15 =	vld [tilespmem:s6+$0xA20]  }
0x14b: {  	v16 =	vld [tilespmem:s6+$0x1420]  }
0x14c: {  	s0 =	ssub.f32 s8, s21;
	v17 =	vld [tilespmem:s6+$0x1E20]  }
0x14d: {  	s1 =	ssub.f32 s10, s9;
	v19 =	vld [tilespmem:s6+$0xA10]  }
0x14e: {  	v20 =	vld [tilespmem:s6+$0x1410]  }
0x14f: {  	v21 =	vld [tilespmem:s6+$0xA00];
	s0 =	smul.f32 s1, s0  }
0x150: {  	v3 =	vmov s21;
	v22 =	vld [tilespmem:s6+$0x1400]  }
0x151: {  	v4 =	vmov s9;
	v6 =	vmov s8;
	v23 =	vld [tilespmem:s6+$0x1E00];
	v5 =	vmov s0  }
0x152: {  	v7 =	vmov s10;
	v25 =	vld [tilespmem:s6+$0x1E10];
	v24 =	vadd.f32 v2, v5;
	v2 =	vadd.f32 v9, v5  }
0x153: {  	v9 =	vmax.f32 v3, v10;
	v10 =	vld [tilespmem:s6+$0x2800];
	v11 =	vmax.f32 v4, v11;
	v14 =	vadd.f32 v14, v5  }
0x154: {  	v26 =	vld [tilespmem:s6+$0x2810];
	v12 =	vmin.f32 v6, v12;
	v13 =	vmin.f32 v7, v13;
	v15 =	vmax.f32 v3, v15  }
0x155: {  	s21 =	simm.s32 $0x40;
	v18 =	vld [tilespmem:s6+$0x2820];
	v16 =	vmax.f32 v4, v16;
	v17 =	vmin.f32 v6, v17;
	v19 =	vmax.f32 v3, v19  }
0x156: {  	v27 =	vld [tilespmem:s21+$0x3230];
	v20 =	vmax.f32 v4, v20;
	v21 =	vmax.f32 v3, v21;
	v22 =	vmax.f32 v4, v22  }
0x157: {  	v28 =	vld [tilespmem:s21+$0x3220];
	v23 =	vmin.f32 v6, v23;
	v9 =	vsub.f32 v12, v9;
	v12 =	vmin.f32 v6, v25  }
0x158: {  	v29 =	vld [tilespmem:s21+$0x3210];
	v21 =	vsub.f32 v23, v21;
	v15 =	vsub.f32 v17, v15;
	v10 =	vmin.f32 v7, v10  }
0x159: {  	v30 =	vld [tilespmem:s21+$0x1E20];
	v12 =	vsub.f32 v12, v19;
	v10 =	vsub.f32 v10, v22;
	v22 =	vmin.f32 v7, v26  }
0x15a: {  	v31 =	vld [tilespmem:s21+$0x2820];
	v18 =	vmin.f32 v7, v18;
	v11 =	vsub.f32 v13, v11;
	v20 =	vsub.f32 v22, v20  }
0x15b: {  	v32 =	vld [tilespmem:s21+$0xA10];
	v21 =	vmax.f32 v21, $0.0e+00;
	v12 =	vmax.f32 v12, $0.0e+00;
	v10 =	vmax.f32 v10, $0.0e+00  }
0x15c: {  	v19 =	vld [tilespmem:s21+$0x1E30];
	v23 =	vmul.f32 v10, v21;
	v10 =	vsub.f32 v18, v16;
	v13 =	vmax.f32 v20, $0.0e+00  }
0x15d: {  	v8 =	vadd.f32 v8, v5;
	v17 =	vld [tilespmem:s21+$0x1430];
	v15 =	vmax.f32 v15, $0.0e+00;
	v33 =	vmul.f32 v13, v12  }
0x15e: {  	v34 =	vld [tilespmem:s21+$0x1410];
	v9 =	vmax.f32 v9, $0.0e+00;
	v14 =	vsub.f32 v14, v23;
	v10 =	vmax.f32 v10, $0.0e+00  }
0x15f: {  	v22 =	vld [tilespmem:s21+$0x2830];
	v15 =	vmul.f32 v10, v15;
	v10 =	vmax.f32 v11, $0.0e+00;
	v13 =	vsub.f32 v2, v33  }
0x160: {  	v41 =	vld [tilespmem:s21+$0x2800];
	v11 =	vadd.f32 $9.999999710e-10, v14;
	v35 =	vmul.f32 v10, v9  }
0x161: {  	v36 =	vld [tilespmem:s21+$0x1E10];
	v42 =	vmin.f32 v6, v19;
	v9 =	vsub.f32 v8, v15;
	v13 =	vadd.f32 $9.999999710e-10, v13  }
0x162: {  	v21 =	vld [tilespmem:s21+$0x3200];
	v18 =	vmax.f32 v4, v17;
	v14 =	vsub.f32 v24, v35;
	(erf) = vrcp.f32 v11  }
0x163: {  	v39 =	vld [tilespmem:s21+$0x1400];
	v12 =	vimm.f32 $-1.000000020e+30;
	v16 =	vadd.f32 $9.999999710e-10, v9;
	(erf) = vrcp.f32 v13  }
0x164: {  	v40 =	vld [tilespmem:s21+$0x1E00];
	v2 =	vmov s7;
	v19 =	vmin.f32 v7, v22;
	v14 =	vadd.f32 $9.999999710e-10, v14  }
0x165: {  	s17 =	sadd.s32 $0x20, s5;
	v20 =	vld [tilespmem:s21+$0xA20];
	v22 =	vmax.f32 v4, v34;
	v34 =	vmin.f32 v7, v41;
	(erf) = vrcp.f32 v16  }
0x166: {  	v26 =	vld [tilespmem:s21+$0x1420];
	v10 =	vor.u32 s17, v0;
	vm9 =	veq.s32 v1, v2;
	(erf) = vrcp.f32 v14  }
0x167: {  	s31 =	sadd.s32 $0x10, s5;
	v37 =	vld [tilespmem:s21+$0x2810];
	v8 =	vimm.s32 $0x0;
	vm7 =	veq.s32 v10, v2;
	v17 =	vadd.f32 v21, v5  }
0x168: {  	s16 =	sadd.s32 $0x30, s5;
	v25 =	vld [tilespmem:s21+$0xA30];
	v21 =	vmin.f32 v7, v31;
	v31 =	vmax.f32 v4, v39;
	v11 =	vor.u32 s31, v0  }
0x169: {  	v38 =	vld [tilespmem:s21+$0xA00];
	v24 =	vmax.f32 v3, v32;
	v32 =	vmin.f32 v6, v40;
	v9 =	vor.u32 s16, v0  }
0x16a: {  	v13 =	vadd.f32 v27, v5;
	vm8 =	veq.s32 v11, v2;
	v27 =	vmax.f32 v3, v20  }
0x16b: {  	v43 =	vld [tilespmem:s6+$0x0];
	v20 =	vmax.f32 v4, v26;
	v14 =	vadd.f32 v28, v5;
	v28 =	vmin.f32 v6, v30;
	v30 =	vpop (erf)  }
0x16c: {  	v26 =	vmin.f32 v6, v36;
	vm6 =	veq.s32 v9, v2;
	v23 =	vmul.f32 v30, v23;
	v61 =	vpop (erf)  }
0x16d: {  	v16 =	vadd.f32 v29, v5;
	v29 =	vmax.f32 v3, v25;
	v62 =	vmul.f32 v61, v33;
	v33 =	vld [tilespmem:s6+$0x10]  }
0x16e: {  	v25 =	vmin.f32 v7, v37;
	v30 =	vmax.f32 v3, v38;
	vm10 =	vgt.f32 v23, $5.000000000e-01;
	v63 =	vpop (erf)  }
0x16f: {  	v23 =	vsub.f32 v42, v29;
	v29 =	vld [tilespmem:s6+$0x20];
	vm9 =	vmor vm9, vm10;
	v36 =	vmul.f32 v63, v15;
	v15 =	vpop (erf)  }
0x170: {  	s8 =	simm.s32 $0x200;
	s7 =	smov.u32 s5;
	vm10 =	vgt.f32 v62, $5.000000000e-01;
	v37 =	vsel vm9, $0xF149F2CA, v43;
	v35 =	vmul.f32 v15, v35;
	v15 =	vmovc v1  }
.LBB2_11:
0x171: {  	p2 =	sne.s32 s8, $0x2700;
	[tilespmem:s6+$0x0] =	vst v37;
	vm9 =	vgt.f32 v37, v12;
	vm8 =	vmor vm8, vm10;
	vm10 =	vgt.f32 v36, $5.000000000e-01;
	v36 =	vld [tilespmem:s6+$0x30]  }
0x172: {  	v12 =	vsel vm9, v37, v12;
	v8 =	vsel vm9, v15, v8;
	v15 =	vsel vm8, $0xF149F2CA, v33  }
0x173: {  	s0 =	sshra.s32 s8, $0x2;
	vm7 =	vmor vm7, vm10;
	vm9 =	vgt.f32 v35, $5.000000000e-01;
	[tilespmem:s6+$0x10] =	vst v15;
	vm8 =	vgt.f32 v15, v12  }
0x174: {  	v33 =	vld [tilespmem:s0+$0x3230];
	v12 =	vsel vm8, v15, v12;
	v8 =	vsel vm8, v11, v8;
	v11 =	vsel vm7, $0xF149F2CA, v29  }
0x175: {  	vm6 =	vmor vm6, vm9;
	v15 =	vsub.f32 v28, v27;
	v29 =	vld [tilespmem:s0+$0x3220];
	[tilespmem:s6+$0x20] =	vst v11;
	vm7 =	vgt.f32 v11, v12  }
0x176: {  	v27 =	vld [tilespmem:s0+$0x3210];
	v11 =	vsel vm7, v11, v12;
	v8 =	vsel vm7, v10, v8;
	v10 =	vsel vm6, $0xF149F2CA, v36  }
0x177: {  	v30 =	vsub.f32 v32, v30;
	v31 =	vsub.f32 v34, v31;
	v28 =	vld [tilespmem:s0+$0xA30];
	[tilespmem:s6+$0x30] =	vst v10;
	vm6 =	vgt.f32 v10, v11;
	s6 =	smov.u32 s21;
	s21 =	smov.u32 s0  }
0x178: {  	v24 =	vsub.f32 v26, v24;
	v32 =	vld [tilespmem:s21+$0x1430];
	v12 =	vsel vm6, v10, v11;
	v8 =	vsel vm6, v9, v8  }
0x179: {  	v9 =	vmax.f32 v30, $0.0e+00;
	v10 =	vmax.f32 v31, $0.0e+00;
	v11 =	vsub.f32 v25, v22;
	v26 =	vld [tilespmem:s21+$0x1E30]  }
0x17a: {  	v30 =	vmul.f32 v10, v9;
	v9 =	vsub.f32 v21, v20;
	v10 =	vsub.f32 v19, v18;
	v22 =	vld [tilespmem:s21+$0x2830]  }
0x17b: {  	v15 =	vmax.f32 v15, $0.0e+00;
	v18 =	vmax.f32 v24, $0.0e+00;
	v11 =	vmax.f32 v11, $0.0e+00;
	v19 =	vld [tilespmem:s21+$0x3200]  }
0x17c: {  	v17 =	vsub.f32 v17, v30;
	v35 =	vmul.f32 v11, v18;
	v9 =	vmax.f32 v9, $0.0e+00;
	v20 =	vld [tilespmem:s21+$0xA20]  }
0x17d: {  	v10 =	vmax.f32 v10, $0.0e+00;
	v36 =	vmul.f32 v9, v15;
	v9 =	vmax.f32 v23, $0.0e+00;
	v21 =	vld [tilespmem:s21+$0x1420]  }
0x17e: {  	v11 =	vadd.f32 $9.999999710e-10, v17;
	v15 =	vsub.f32 v16, v35;
	v38 =	vmul.f32 v10, v9;
	v23 =	vld [tilespmem:s21+$0x1E20]  }
0x17f: {  	s7 =	sadd.s32 $0x40, s7;
	v9 =	vsub.f32 v14, v36;
	v25 =	vld [tilespmem:s21+$0x2820]  }
0x180: {  	s0 =	sadd.s32 $0x30, s7;
	v14 =	vadd.f32 $9.999999710e-10, v15;
	v13 =	vsub.f32 v13, v38;
	v24 =	vld [tilespmem:s21+$0xA10];
	(erf) = vrcp.f32 v11  }
0x181: {  	s1 =	sadd.s32 $0x20, s7;
	v15 =	vor.u32 s7, v0;
	v16 =	vadd.f32 $9.999999710e-10, v9;
	v9 =	vor.u32 s0, v0;
	v31 =	vld [tilespmem:s21+$0x1410]  }
0x182: {  	v10 =	vor.u32 s1, v0;
	s0 =	sadd.s32 $0x10, s7;
	v13 =	vadd.f32 $9.999999710e-10, v13;
	v34 =	vld [tilespmem:s21+$0x1E10];
	(erf) = vrcp.f32 v14  }
0x183: {  	vm9 =	veq.s32 v15, v2;
	v11 =	vor.u32 s0, v0;
	v37 =	vld [tilespmem:s21+$0x2810];
	(erf) = vrcp.f32 v16  }
0x184: {  	vm7 =	veq.s32 v10, v2;
	vm6 =	veq.s32 v9, v2;
	v39 =	vld [tilespmem:s21+$0xA00];
	(erf) = vrcp.f32 v13  }
0x185: {  	v14 =	vadd.f32 v29, v5;
	vm8 =	veq.s32 v11, v2;
	v13 =	vadd.f32 v33, v5;
	v40 =	vld [tilespmem:s21+$0x1400]  }
0x186: {  	v41 =	vmax.f32 v3, v28;
	v18 =	vmax.f32 v4, v32;
	v16 =	vadd.f32 v27, v5;
	v29 =	vld [tilespmem:s21+$0x1E00]  }
0x187: {  	v43 =	vmin.f32 v6, v26;
	v17 =	vadd.f32 v19, v5;
	v19 =	vmin.f32 v7, v22;
	v42 =	vld [tilespmem:s21+$0x2800]  }
0x188: {  	v27 =	vmax.f32 v3, v20;
	v20 =	vmax.f32 v4, v21;
	v28 =	vmin.f32 v6, v23  }
0x189: {  	v21 =	vmin.f32 v7, v25;
	v24 =	vmax.f32 v3, v24;
	v22 =	vmax.f32 v4, v31;
	v44 =	vld [tilespmem:s6+$0x0];
	v23 =	vpop (erf)  }
.Ltmp7:
0x18a: {  	v26 =	vmin.f32 v6, v34;
	v25 =	vmin.f32 v7, v37;
	v23 =	vmul.f32 v23, v30;
	(pc) =	sbr.rel @p2 .LBB2_11-.Ltmp7, $4  }
0x18b: {  	v30 =	vmax.f32 v3, v39;
	v31 =	vmax.f32 v4, v40;
	v32 =	vmin.f32 v6, v29;
	v33 =	vld [tilespmem:s6+$0x10];
	v29 =	vpop (erf)  }
0x18c: {  	v34 =	vmin.f32 v7, v42;
	vm10 =	vgt.f32 v23, $5.000000000e-01;
	v35 =	vmul.f32 v29, v35;
	v37 =	vpop (erf)  }
0x18d: {  	v23 =	vsub.f32 v43, v41;
	vm9 =	vmor vm9, vm10;
	v29 =	vld [tilespmem:s6+$0x20];
	v36 =	vmul.f32 v37, v36;
	v39 =	vpop (erf)  }
0x18e: {  	s8 =	sadd.s32 $0x100, s8;
	v37 =	vsel vm9, $0xF149F2CA, v44;
	vm10 =	vgt.f32 v35, $5.000000000e-01;
	v35 =	vmul.f32 v39, v38  }
0x18f: {  	v3 =	vsub.f32 v32, v30;
	v4 =	vsub.f32 v34, v31  }
0x190: {  	v5 =	vsub.f32 v28, v27;
	v6 =	vsub.f32 v26, v24  }
0x191: {  	v7 =	vsub.f32 v25, v22;
	v3 =	vmax.f32 v3, $0.0e+00;
	v4 =	vmax.f32 v4, $0.0e+00  }
0x192: {  	v31 =	vsub.f32 v21, v20;
	v18 =	vsub.f32 v19, v18;
	v3 =	vmul.f32 v4, v3  }
0x193: {  	v6 =	vmax.f32 v6, $0.0e+00;
	v7 =	vmax.f32 v7, $0.0e+00;
	v5 =	vmax.f32 v5, $0.0e+00  }
0x194: {  	v6 =	vmul.f32 v7, v6;
	v4 =	vmax.f32 v31, $0.0e+00;
	v17 =	vsub.f32 v17, v3  }
0x195: {  	v34 =	vmax.f32 v23, $0.0e+00;
	v4 =	vmul.f32 v4, v5  }
0x196: {  	v38 =	vmax.f32 v18, $0.0e+00;
	v16 =	vsub.f32 v16, v6;
	v32 =	vadd.f32 $9.999999710e-10, v17  }
0x197: {  	v7 =	vmul.f32 v38, v34;
	v39 =	vsub.f32 v14, v4  }
0x198: {  	v40 =	vadd.f32 $9.999999710e-10, v16;
	(erf) = vrcp.f32 v32  }
0x199: {  	v13 =	vsub.f32 v13, v7;
	v5 =	vadd.f32 $9.999999710e-10, v39  }
0x19a: {  	vm9 =	vgt.f32 v37, v12;
	v41 =	vld [tilespmem:s6+$0x30];
	(erf) = vrcp.f32 v40  }
0x19b: {  	vm8 =	vmor vm8, vm10;
	v13 =	vadd.f32 $9.999999710e-10, v13;
	(erf) = vrcp.f32 v5  }
0x19c: {  	vm15 =	vgt.f32 v36, $5.000000000e-01;
	v12 =	vsel vm9, v37, v12;
	v42 =	vsel vm8, $0xF149F2CA, v33  }
0x19d: {  	[tilespmem:s6+$0x0] =	vst v37;
	vm7 =	vmor vm7, vm15;
	vm12 =	vgt.f32 v35, $5.000000000e-01;
	(erf) = vrcp.f32 v13  }
0x19e: {  	vm8 =	vgt.f32 v42, v12;
	[tilespmem:s6+$0x10] =	vst v42;
	vm6 =	vmor vm6, vm12;
	v43 =	vsel vm7, $0xF149F2CA, v29  }
0x19f: {  	v12 =	vsel vm8, v42, v12;
	[tilespmem:s6+$0x20] =	vst v43;
	v44 =	vsel vm6, $0xF149F2CA, v41  }
0x1a0: {  	s0 =	sadd.s32 $0x40, s7;
	vm6 =	vgt.f32 v43, v12;
	[tilespmem:s6+$0x30] =	vst v44  }
0x1a1: {  	s1 =	sadd.s32 $0x30, s0;
	v47 =	vor.u32 s0, v0;
	v45 =	vld [tilespmem:s21+$0x0];
	v5 =	vsel vm6, v43, v12;
	v46 =	vpop (erf)  }
0x1a2: {  	s16 =	sadd.s32 $0x20, s0;
	s0 =	sadd.s32 $0x10, s0;
	v48 =	vor.u32 s1, v0;
	vm7 =	vgt.f32 v44, v5;
	v3 =	vmul.f32 v46, v3  }
0x1a3: {  	vm13 =	veq.s32 v47, v2;
	v51 =	vor.u32 s0, v0;
	v49 =	vld [tilespmem:s21+$0x10];
	v5 =	vsel vm7, v44, v5;
	v50 =	vpop (erf)  }
0x1a4: {  	v6 =	vmul.f32 v50, v6;
	v52 =	vpop (erf);
	vm11 =	vgt.f32 v3, $5.000000000e-01;
	v3 =	vor.u32 s16, v0  }
0x1a5: {  	v53 =	vld [tilespmem:s21+$0x20];
	v4 =	vmul.f32 v52, v4;
	vm10 =	vmor vm13, vm11;
	vm11 =	veq.s32 v3, v2  }
0x1a6: {  	v54 =	vpop (erf);
	vm12 =	vgt.f32 v6, $5.000000000e-01;
	v12 =	vsel vm10, $0xF149F2CA, v45;
	vm10 =	veq.s32 v51, v2  }
0x1a7: {  	v56 =	vld [tilespmem:s21+$0x30];
	v55 =	vmul.f32 v54, v7;
	vm13 =	vgt.f32 v12, v5;
	vm10 =	vmor vm10, vm12  }
0x1a8: {  	vm12 =	vgt.f32 v4, $5.000000000e-01;
	v57 =	vsel vm13, v12, v5;
	v58 =	vsel vm10, $0xF149F2CA, v49  }
0x1a9: {  	vm14 =	vgt.f32 v55, $5.000000000e-01;
	vm11 =	vmor vm11, vm12;
	vm12 =	vgt.f32 v58, v57  }
0x1aa: {  	vm10 =	veq.s32 v48, v2;
	v2 =	vsel vm11, $0xF149F2CA, v53;
	v4 =	vsel vm12, v58, v57  }
0x1ab: {  	vm10 =	vmor vm10, vm14;
	vm15 =	vgt.f32 v2, v4  }
0x1ac: {  	v59 =	vsel vm10, $0xF149F2CA, v56;
	v4 =	vsel vm15, v2, v4  }
0x1ad: {  	vm10 =	vgt.f32 v59, v4  }
0x1ae: {  	v4 =	vsel vm10, v59, v4  }
0x1af: {  	(xrf0) =	vmax.scan.msk.f32 $0xffff, v4  }
0x1b0: {  	v60 =	vsel vm9, v15, v8  }
0x1b1: {  	v7 =	vsel vm8, v11, v60  }
0x1b2: {  	v7 =	vsel vm6, v10, v7  }
0x1b3: {  	v7 =	vsel vm7, v9, v7  }
0x1b4: {  	v7 =	vsel vm13, v47, v7  }
0x1b5: {  	v7 =	vsel vm12, v51, v7;
	v61, _, _ =	vpop (xrf0)  }
0x1b6: {  	v3 =	vsel vm15, v3, v7;
	v62 =	vbroadcast v61, $0xF  }
0x1b7: {  	v3 =	vsel vm10, v48, v3  }
0x1b8: {  	v3 =	vxor.u32 $0x80000000, v3;
	vm6 =	veq.f32 v4, v62  }
0x1b9: {  	v3 =	vnsel vm6, $0xC0000000, v3  }
0x1ba: {  	(xrf0) =	vmin.scan.msk.u32 $0xffff, v3;
	_ =	sdelay $0x5  }
0x1bb: {  	v3, _, _ =	vpop (xrf0)  }
0x1bc: {  	(v2sf) =	vpush v3, $0xF;
	_ =	sdelay $0xe  }
0x1bd: {  	s17 =	spop (v2sf)  }
0x1be: {  	s0 =	sxor.u32 $0x80000000, s17  }
0x1bf: {  	s1 =	ssub.s32 s0, s5  }
0x1c0: {  	p0 =	sgt.s32 s1, $0x0  }
0x1c1: {  	s1 =	simm.s32 @!p0 $0x0  }
0x1c2: {  	s1 =	smin.u32 s1, $0x9FF  }
0x1c3: {  	v3 =	vmov s1  }
0x1c4: {  	v3 =	vbroadcast v3, $0x0;
	_ =	sdelay $0x1  }
0x1c5: {  	[tilespmem:s21+$0x0] =	vst v12  }
0x1c6: {  	[tilespmem:s21+$0x10] =	vst v58  }
0x1c7: {  	[tilespmem:s21+$0x20] =	vst v2  }
0x1c8: {  	[tilespmem:s21+$0x30] =	vst v59  }
0x1c9: {  	v2 =	vld.idx.msk [tilespmem:v3+s25+$0x0], $0xffff  }
0x1ca: {  	v63 =	vld.idx.msk [tilespmem:v3+s26+$0x0], $0xffff  }
0x1cb: {  	v5 =	vld.idx.msk [tilespmem:v3+s28+$0x0], $0xffff  }
0x1cc: {  	v6 =	vld.idx.msk [tilespmem:v3+s29+$0x0], $0xffff  }
0x1cd: {  	v7 =	vnsel vm0, $0x0, v62  }
0x1ce: {  	v3 =	vld.idx.msk [tilespmem:v3+s30+$0x0], $0xffff;
	v2 =	vsel vm1, v7, v2  }
0x1cf: {  	s21 =	stileid.u32;
	v2 =	vsel vm2, v2, v63  }
0x1d0: {  	s1 =	ssub.s32 s21, s23;
	v2 =	vsel vm3, v2, v5  }
0x1d1: {  	vm6 =	veq.s32 v0, $0x1;
	s1 =	sshll.u32 s1, $0x9;
	v2 =	vsel vm4, v2, v6  }
0x1d2: {  	s23 =	sshra.s32 s1, $0x2;
	v2 =	vsel vm6, s0, v2  }
0x1d3: {  	s0 =	sadd.s32 s23, s2;
	v2 =	vsel vm5, v2, v3  }
.Ltmp8:
0x1d4: {  	s31 =	simm.s32 $0x4600;
	s0 =	sadd.s32 $0x2800, s0;
	[tilespmem:$0x4600] =	vst v2;
	(pc) =	sbr.rel .LBB2_4-.Ltmp8, $4  }
0x1d5: {  	[spmem:s0] =	stream.linear.scatter [tilespmem:s31], [sflag:$0x2], $0x80, $0x38;
	[tilespmem:$0x4EE0] =	vst v63  }
0x1d6: {  	s0 =	simm.s32 $0x1;
	_ =	swait.ge [sflag:s24], $0x80  }
0x1d7: {  	s0 =	simm.s32 @!p3 $0x0;
	[sflag:s24] =	ssyncset.done $0x0  }
0x1d8: {  	s22 =	sadd.s32 $0x1, s22;
	s3 =	sadd.s32 s0, s3;
	[sflag:s24] =	ssyncadd.s32 $0xFFFFFF80  }
.LBB2_8:
0x1d9: {  	_ =	sfence.sel $0x180000  }
0x1da: {  	[bflag:$0x0] =	sbarrier.arrive $0xFFFF  }
0x1db: {  	_ =	strace $0x90000047  }
0x1dc: {  	s0 =	stileid.u32;
	[bflag:$0x2] =	sbarrier.arrive $0xFFFF  }
0x1dd: {  	p0 =	sne.s32 s0, $0x0;
	s0 =	rddreg [dreg:$0x6]  }
0x1de: {  	s0 =	sadd.s32 @!p0 $0x100000, s0  }
0x1df: {  	[sflag:s0] =	ssyncadd.tile.s32 @!p0 $0x1;
	_ =	shalt  }
.Lfunc_end2:
_tile_overlayer_lowered:
.L_overlay_start_2:
0x1e0: {  	(tag) =	ssettag $0x2  }
0x1e1: {  	s0 =	rddreg [dreg:$0x0];
	s2 =	stileid.u32  }
0x1e2: {  	s1 =	rddreg [dreg:$0x1];
	p0 =	sne.s32 s2, $0x0  }
0x1e3: {  	s3 =	rddreg [dreg:$0x2];
	[bflag:$0x3] =	sbarrier.arrive $0xFFFF;
	s2 =	simm.s32 @!p0 $0x1C02  }
0x1e4: {  	[timem:s3], [sflag:s2] =	dma.local @!p0 [hbm:s0], s1  }
0x1e5: {  	s0 =	simm.s32 @!p0 $0x2  }
0x1e6: {  	_ =	swait.ge @!p0 [sflag:s0], s1  }
0x1e7: {  	s1 =	ssub.s32 @!p0 $0x0, s1;
	[sflag:s0] =	ssyncset.done @!p0 $0x0  }
0x1e8: {  	[sflag:s0] =	ssyncadd.s32 @!p0 s1  }
0x1e9: {  	[bflag:$0x3] =	sbarrier.arrive $0xFFFF  }
0x1ea: {  	_ =	shalt  }

</sc_bundles>
